<compile_context>
chip_gen: v7x
topology: tpu7x:2x2x1
jax: 0.10.2.dev20260603
libtpu: 0.0.44.dev20260713+nightly
codegen_flags: <defaults>
</compile_context>

<pallas_src>
import functools

import jax
import jax.numpy as jnp
from jax import lax
from jax.experimental import pallas as pl
from jax.experimental.pallas import tpu as pltpu
from jax.experimental.pallas import tpu_sc as plsc

B = 1024
S = 512
VOCAB = 1000000
EMB = 300
HID = 16
NPROJ = 128
NCHUNK = 4
G = S // NCHUNK
ROWS_BLK = 8192


def _proj_body(t_ref, w_ref, b_ref, o_ref):
  t = t_ref[...].astype(jnp.bfloat16)
  w = w_ref[...].astype(jnp.bfloat16)
  o_ref[...] = lax.dot_general(
      t, w, (((0,), (0,)), ((), ())),
      preferred_element_type=jnp.float32) + b_ref[...]


def _make_sc_head(num_cores, num_workers):
  b_per_w = B // num_workers
  mesh = plsc.VectorSubcoreMesh(core_axis_name="c", subcore_axis_name="s")

  @functools.partial(
      pl.kernel,
      out_type=jax.ShapeDtypeStruct((B,), jnp.float32),
      mesh=mesh,
      scratch_types=[
          pltpu.VMEM((b_per_w * NCHUNK, G), jnp.int32),
          pltpu.VMEM((G, NPROJ), jnp.float32),
          pltpu.VMEM((G, NPROJ), jnp.float32),
          pltpu.VMEM((G, NPROJ), jnp.float32),
          pltpu.VMEM((G, NPROJ), jnp.float32),
          pltpu.VMEM((b_per_w,), jnp.float32),
          pltpu.VMEM((2, HID), jnp.float32),
          pltpu.SemaphoreType.DMA,
          pltpu.SemaphoreType.DMA,
          pltpu.SemaphoreType.DMA,
          pltpu.SemaphoreType.DMA,
      ],
      compiler_params=pltpu.CompilerParams(needs_layout_passes=False,
                                           use_tc_tiling_on_sc=True),
  )
  def sc_head(idx_hbm, proj_hbm, wb_hbm, out_hbm, idx_v, rows0, rows1,
              rows2, rows3, stage, wbv, sem0, sem1, sem2, sem3):
    cid = lax.axis_index("c")
    sid = lax.axis_index("s")
    wid = sid * num_cores + cid
    base = wid * b_per_w
    pltpu.sync_copy(idx_hbm.at[pl.ds(base * NCHUNK, b_per_w * NCHUNK)], idx_v)
    pltpu.sync_copy(wb_hbm, wbv)

    rows = (rows0, rows1, rows2, rows3)
    sems = (sem0, sem1, sem2, sem3)

    def start(i, k, buf):
      pltpu.async_copy(proj_hbm.at[idx_v.at[i * NCHUNK + k]], rows[buf],
                       sems[buf])

    def wait(buf):
      pltpu.make_async_copy(proj_hbm.at[idx_v.at[0]], rows[buf],
                            sems[buf]).wait()

    start(0, 0, 0)
    start(0, 1, 1)
    w2reg = wbv[0, pl.ds(0, HID)]
    b2reg = wbv[1, pl.ds(0, HID)]
    lane = lax.iota(jnp.int32, 16)

    def make_batch_body(g):
      def batch_body(i, zvec):
        gi = g * 16 + i
        acc = jnp.zeros((16,), jnp.float32)
        for k in range(NCHUNK):
          k2 = (k + 2) % NCHUNK
          i2 = jnp.minimum(gi + (k + 2) // NCHUNK, b_per_w - 1)
          start(i2, k2, k2)
          wait(k)
          rb = rows[k]

          def row_body(r, a):
            return a + rb[r, pl.ds(0, HID)]

          acc = lax.fori_loop(0, G, row_body, acc, unroll=8)

        h = jnp.maximum(acc * (1.0 / S), 0.0)
        z = jnp.sum(h * w2reg)
        return jnp.where(lane == i, z, zvec)
      return batch_body

    for g in range(b_per_w // 16):
      zvec = lax.fori_loop(0, 16, make_batch_body(g),
                           jnp.zeros((16,), jnp.float32), unroll=False)
      stage[pl.ds(g * 16, 16)] = 1.0 / (
          1.0 + jnp.exp(-(zvec + b2reg)))

    wait(0)
    wait(1)
    pltpu.sync_copy(stage, out_hbm.at[pl.ds(base, b_per_w)])

  return sc_head


def kernel(indices, table, W1, b1, W2, b2):
  info = plsc.get_sparse_core_info()
  num_workers = info.num_cores * info.num_subcores

  w1p = jnp.pad(W1, ((0, 0), (0, NPROJ - HID)))
  b1p = jnp.pad(b1, (0, NPROJ - HID)).reshape(1, NPROJ)
  proj = pl.pallas_call(
      _proj_body,
      grid=(pl.cdiv(VOCAB, ROWS_BLK),),
      in_specs=[
          pl.BlockSpec((EMB, ROWS_BLK), lambda i: (0, i)),
          pl.BlockSpec((EMB, NPROJ), lambda i: (0, 0)),
          pl.BlockSpec((1, NPROJ), lambda i: (0, 0)),
      ],
      out_specs=pl.BlockSpec((ROWS_BLK, NPROJ), lambda i: (i, 0)),
      out_shape=jax.ShapeDtypeStruct((VOCAB, NPROJ), jnp.float32),
  )(table.T, w1p, b1p)

  idx2 = indices.reshape(B * NCHUNK, G)
  wb = jnp.stack([W2.reshape(HID), jnp.broadcast_to(b2, (HID,))])
  out = _make_sc_head(info.num_cores, num_workers)(idx2, proj, wb)
  return out.reshape(B, 1)

# --- scband reference (transcript-rebuilt; emitter-appended) ---
"""Pipeline reference for scband-example-model-78786880078476 (READ-ONLY COPY).

The authoritative reference and input builder live on the scoring server;
editing this copy changes nothing except your own understanding.
"""

import jax, jax.numpy as jnp
import numpy as np

BATCH = 1024
SEQ = 512
VOCAB = 1000000
EMB = 300
HID = 16

def setup_inputs(seed: int = 0) -> dict:
    key = jax.random.key(seed)
    k1, k2, k3, k4 = jax.random.split(key, 4)
    indices = jax.random.randint(k1, (BATCH, SEQ), 0, VOCAB, dtype=jnp.int64 if jax.config.jax_enable_x64 else jnp.int32).astype(jnp.int32)
    # pretrained (frozen) word vectors, ~ fastText scale
    table = jax.random.normal(k2, (VOCAB, EMB), dtype=jnp.float32) * 0.02
    W1 = jax.random.normal(k3, (EMB, HID), dtype=jnp.float32) * (1.0 / np.sqrt(EMB))
    b1 = jnp.zeros((HID,), dtype=jnp.float32)
    W2 = jax.random.normal(k4, (HID, 1), dtype=jnp.float32) * (1.0 / np.sqrt(HID))
    b2 = jnp.zeros((1,), dtype=jnp.float32)
    return {"indices": indices, "table": table, "W1": W1, "b1": b1, "W2": W2, "b2": b2}

def reference(indices, table, W1, b1, W2, b2):
    # Embedding lookup (trainable=False in original)
    emb = jnp.take(table, indices, axis=0)           # [B, S, 300]
    # GlobalAveragePooling1D
    pooled = jnp.mean(emb, axis=1)                   # [B, 300]
    # Dense(16, relu)
    h = jax.nn.relu(pooled @ W1 + b1)                # [B, 16]
    # Dense(1, sigmoid)
    out = jax.nn.sigmoid(h @ W2 + b2)                # [B, 1]
    return out

if __name__ == "__main__":
    import jax
    _d = setup_inputs()
    print(jax.jit(kernel)(*tuple(_d.values())))

</pallas_src>

<mosaic_0001>
#map = affine_map<(d0, d1) -> (0, 0)>
#map1 = affine_map<(d0, d1) -> (0)>
module attributes {stable_mosaic.version = 14 : i64} {
  func.func @sc_head(%arg0: i32, %arg1: i32, %arg2: memref<4096x128xi32, #tpu.memory_space<hbm>>, %arg3: memref<1000000x128xf32, #tpu.memory_space<hbm>>, %arg4: memref<2x16xf32, #tpu.memory_space<hbm>>, %arg5: memref<1024xf32, #tpu.memory_space<hbm>>, %arg6: memref<128x128xi32, #tpu.memory_space<vmem>>, %arg7: memref<128x128xf32, #tpu.memory_space<vmem>>, %arg8: memref<128x128xf32, #tpu.memory_space<vmem>>, %arg9: memref<128x128xf32, #tpu.memory_space<vmem>>, %arg10: memref<128x128xf32, #tpu.memory_space<vmem>>, %arg11: memref<32xf32, #tpu.memory_space<vmem>>, %arg12: memref<2x16xf32, #tpu.memory_space<vmem>>, %arg13: memref<!tpu.dma_semaphore, #tpu.memory_space<semaphore_mem>>, %arg14: memref<!tpu.dma_semaphore, #tpu.memory_space<semaphore_mem>>, %arg15: memref<!tpu.dma_semaphore, #tpu.memory_space<semaphore_mem>>, %arg16: memref<!tpu.dma_semaphore, #tpu.memory_space<semaphore_mem>>) attributes {dimension_semantics = [#tpu.dimension_semantics<core_parallel>, #tpu.dimension_semantics<subcore_parallel>], iteration_bounds = array<i64: 2, 16>, scalar_prefetch = 0 : i64, scratch_operands = 11 : i64, tpu.core_type = #tpu.core_type<sc_vector_subcore>, window_params = [{transform_indices = #map}, {transform_indices = #map}, {transform_indices = #map}, {transform_indices = #map1}]} {
    %mul3A = arith.constant 2 : i32
    %mul3A_0 = arith.muli %arg1, %mul3A : i32
    %add3A = arith.addi %mul3A_0, %arg0 : i32
    %mul3A_1 = arith.constant 32 : i32
    %mul3A_2 = arith.muli %add3A, %mul3A_1 : i32
    %mul3A_3 = arith.constant 4 : i32
    %mul3A_4 = arith.muli %mul3A_2, %mul3A_3 : i32
    "tpu.region"() ({
      %run_scoped3A = tpu.sem_alloc : memref<!tpu.dma_semaphore, #tpu.memory_space<semaphore_mem>>
      %dma_start3A_74 = arith.constant 0 : i32
      %dma_start3A_75 = tpu.memref_slice %arg2[%mul3A_4, %dma_start3A_74] : memref<4096x128xi32, #tpu.memory_space<hbm>> -> memref<128x128xi32, #tpu.memory_space<hbm>>
      %dma_start3A_76 = arith.constant 0 : i32
      %dma_start3A_77 = tpu.memref_slice %arg2[%mul3A_4, %dma_start3A_76] : memref<4096x128xi32, #tpu.memory_space<hbm>> -> memref<128x128xi32, #tpu.memory_space<hbm>>
      tpu.enqueue_dma source(%dma_start3A_77 : memref<128x128xi32, #tpu.memory_space<hbm>>) target(%arg6 : memref<128x128xi32, #tpu.memory_space<vmem>>) target_semaphore(%run_scoped3A : memref<!tpu.dma_semaphore, #tpu.memory_space<semaphore_mem>>)
      %dma_wait3A_78 = arith.constant 0 : i32
      %dma_wait3A_79 = tpu.memref_slice %arg2[%mul3A_4, %dma_wait3A_78] : memref<4096x128xi32, #tpu.memory_space<hbm>> -> memref<128x128xi32, #tpu.memory_space<hbm>>
      %dma_wait3A_80 = arith.constant 0 : i32
      %dma_wait3A_81 = tpu.memref_slice %arg2[%mul3A_4, %dma_wait3A_80] : memref<4096x128xi32, #tpu.memory_space<hbm>> -> memref<128x128xi32, #tpu.memory_space<hbm>>
      tpu.wait_dma2 semaphore(%run_scoped3A : memref<!tpu.dma_semaphore, #tpu.memory_space<semaphore_mem>>) src(%dma_wait3A_81 : memref<128x128xi32, #tpu.memory_space<hbm>>) dst(%arg6 : memref<128x128xi32, #tpu.memory_space<vmem>>)
      tpu.yield
    }) : () -> ()
    "tpu.region"() ({
      %run_scoped3A = tpu.sem_alloc : memref<!tpu.dma_semaphore, #tpu.memory_space<semaphore_mem>>
      tpu.enqueue_dma source(%arg4 : memref<2x16xf32, #tpu.memory_space<hbm>>) target(%arg12 : memref<2x16xf32, #tpu.memory_space<vmem>>) target_semaphore(%run_scoped3A : memref<!tpu.dma_semaphore, #tpu.memory_space<semaphore_mem>>)
      tpu.wait_dma2 semaphore(%run_scoped3A : memref<!tpu.dma_semaphore, #tpu.memory_space<semaphore_mem>>) src(%arg4 : memref<2x16xf32, #tpu.memory_space<hbm>>) dst(%arg12 : memref<2x16xf32, #tpu.memory_space<vmem>>)
      tpu.yield
    }) : () -> ()
    %dma_start3A = arith.constant 0 : i32
    %dma_start3A_5 = arith.constant 0 : i32
    %dma_start3A_6 = tpu.memref_slice %arg6[%dma_start3A, %dma_start3A_5] : memref<128x128xi32, #tpu.memory_space<vmem>> -> memref<1x128xi32, #tpu.memory_space<vmem>>
    %dma_start3A_7 = tpu.memref_squeeze %dma_start3A_6 : memref<1x128xi32, #tpu.memory_space<vmem>> -> memref<128xi32, #tpu.memory_space<vmem>>
    %dma_start3A_8 = arith.constant 0 : i32
    %dma_start3A_9 = arith.constant 0 : i32
    %dma_start3A_10 = tpu.memref_slice %arg3[%dma_start3A_8, %dma_start3A_9] : memref<1000000x128xf32, #tpu.memory_space<hbm>> -> memref<1000000x128xf32, #tpu.memory_space<hbm>>
    tpu.enqueue_indirect_dma source(%dma_start3A_10 : memref<1000000x128xf32, #tpu.memory_space<hbm>>) target(%arg7 : memref<128x128xf32, #tpu.memory_space<vmem>>) offsets(%dma_start3A_7 : memref<128xi32, #tpu.memory_space<vmem>>) semaphore(%arg13 : memref<!tpu.dma_semaphore, #tpu.memory_space<semaphore_mem>>)
    %dma_start3A_11 = arith.constant 1 : i32
    %dma_start3A_12 = arith.constant 0 : i32
    %dma_start3A_13 = tpu.memref_slice %arg6[%dma_start3A_11, %dma_start3A_12] : memref<128x128xi32, #tpu.memory_space<vmem>> -> memref<1x128xi32, #tpu.memory_space<vmem>>
    %dma_start3A_14 = tpu.memref_squeeze %dma_start3A_13 : memref<1x128xi32, #tpu.memory_space<vmem>> -> memref<128xi32, #tpu.memory_space<vmem>>
    %dma_start3A_15 = arith.constant 0 : i32
    %dma_start3A_16 = arith.constant 0 : i32
    %dma_start3A_17 = tpu.memref_slice %arg3[%dma_start3A_15, %dma_start3A_16] : memref<1000000x128xf32, #tpu.memory_space<hbm>> -> memref<1000000x128xf32, #tpu.memory_space<hbm>>
    tpu.enqueue_indirect_dma source(%dma_start3A_17 : memref<1000000x128xf32, #tpu.memory_space<hbm>>) target(%arg8 : memref<128x128xf32, #tpu.memory_space<vmem>>) offsets(%dma_start3A_14 : memref<128xi32, #tpu.memory_space<vmem>>) semaphore(%arg14 : memref<!tpu.dma_semaphore, #tpu.memory_space<semaphore_mem>>)
    %get3A = arith.constant 0 : i32
    %get3A_18 = arith.index_cast %get3A : i32 to index
    %get3A_19 = arith.constant 0 : index
    %get3A_20 = tpu.vector_load %arg12[%get3A_18, %get3A_19] {strides = array<i32>} : memref<2x16xf32, #tpu.memory_space<vmem>>, vector<16xf32>,
    %get3A_21 = arith.constant 1 : i32
    %get3A_22 = arith.index_cast %get3A_21 : i32 to index
    %get3A_23 = arith.constant 0 : index
    %get3A_24 = tpu.vector_load %arg12[%get3A_22, %get3A_23] {strides = array<i32>} : memref<2x16xf32, #tpu.memory_space<vmem>>, vector<16xf32>,
    %iota3A = tpu.iota {dimensions = array<i32: 0>} : vector<16xi32>
    %broadcast_in_dim3A = arith.constant 0.000000e+00 : f32
    %broadcast_in_dim3A_25 = vector.broadcast %broadcast_in_dim3A : f32 to vector<16xf32>
    %scan3A = arith.constant 0 : i32
    %scan3A_26 = arith.constant 16 : i32
    %scan3A_27 = arith.addi %scan3A, %scan3A_26 : i32
    %scan3A_28 = arith.constant 1 : i32
    %scan3A_29 = scf.for %scan3A_74 = %scan3A to %scan3A_27 step %scan3A_28 iter_args(%scan3A_75 = %broadcast_in_dim3A_25) -> (vector<16xf32>)  : i32 {
      %add3A_76 = arith.constant 0 : i32
      %add3A_77 = arith.addi %add3A_76, %scan3A_74 : i32
      %broadcast_in_dim3A_78 = arith.constant 0.000000e+00 : f32
      %broadcast_in_dim3A_79 = vector.broadcast %broadcast_in_dim3A_78 : f32 to vector<16xf32>
      %add3A_80 = arith.constant 0 : i32
      %add3A_81 = arith.addi %add3A_77, %add3A_80 : i32
      %min3A = arith.constant 31 : i32
      %min3A_82 = arith.minsi %add3A_81, %min3A : i32
      %mul3A_83 = arith.constant 4 : i32
      %mul3A_84 = arith.muli %min3A_82, %mul3A_83 : i32
      %add3A_85 = arith.constant 2 : i32
      %add3A_86 = arith.addi %mul3A_84, %add3A_85 : i32
      %dma_start3A_87 = arith.constant 0 : i32
      %dma_start3A_88 = tpu.memref_slice %arg6[%add3A_86, %dma_start3A_87] : memref<128x128xi32, #tpu.memory_space<vmem>> -> memref<1x128xi32, #tpu.memory_space<vmem>>
      %dma_start3A_89 = tpu.memref_squeeze %dma_start3A_88 : memref<1x128xi32, #tpu.memory_space<vmem>> -> memref<128xi32, #tpu.memory_space<vmem>>
      %dma_start3A_90 = arith.constant 0 : i32
      %dma_start3A_91 = arith.constant 0 : i32
      %dma_start3A_92 = tpu.memref_slice %arg3[%dma_start3A_90, %dma_start3A_91] : memref<1000000x128xf32, #tpu.memory_space<hbm>> -> memref<1000000x128xf32, #tpu.memory_space<hbm>>
      tpu.enqueue_indirect_dma source(%dma_start3A_92 : memref<1000000x128xf32, #tpu.memory_space<hbm>>) target(%arg9 : memref<128x128xf32, #tpu.memory_space<vmem>>) offsets(%dma_start3A_89 : memref<128xi32, #tpu.memory_space<vmem>>) semaphore(%arg15 : memref<!tpu.dma_semaphore, #tpu.memory_space<semaphore_mem>>)
      %dma_wait3A_93 = arith.constant 0 : i32
      %dma_wait3A_94 = arith.constant 0 : i32
      %dma_wait3A_95 = tpu.memref_slice %arg6[%dma_wait3A_93, %dma_wait3A_94] : memref<128x128xi32, #tpu.memory_space<vmem>> -> memref<1x128xi32, #tpu.memory_space<vmem>>
      %dma_wait3A_96 = tpu.memref_squeeze %dma_wait3A_95 : memref<1x128xi32, #tpu.memory_space<vmem>> -> memref<128xi32, #tpu.memory_space<vmem>>
      %dma_wait3A_97 = arith.constant 0 : i32
      %dma_wait3A_98 = arith.constant 0 : i32
      %dma_wait3A_99 = tpu.memref_slice %arg3[%dma_wait3A_97, %dma_wait3A_98] : memref<1000000x128xf32, #tpu.memory_space<hbm>> -> memref<1000000x128xf32, #tpu.memory_space<hbm>>
      tpu.wait_indirect_dma semaphore(%arg13 : memref<!tpu.dma_semaphore, #tpu.memory_space<semaphore_mem>>) src(%dma_wait3A_99 : memref<1000000x128xf32, #tpu.memory_space<hbm>>) dst(%arg7 : memref<128x128xf32, #tpu.memory_space<vmem>>)
      %scan3A_100 = arith.constant 0 : i32
      %scan3A_101 = arith.constant 128 : i32
      %scan3A_102 = arith.addi %scan3A_100, %scan3A_101 : i32
      %scan3A_103 = arith.constant 8 : i32
      %scan3A_104 = scf.for %scan3A_198 = %scan3A_100 to %scan3A_102 step %scan3A_103 iter_args(%scan3A_199 = %broadcast_in_dim3A_79) -> (vector<16xf32>)  : i32 {
        %get3A_200 = arith.index_cast %scan3A_198 : i32 to index
        %get3A_201 = arith.constant 0 : index
        %get3A_202 = tpu.vector_load %arg7[%get3A_200, %get3A_201] {strides = array<i32>} : memref<128x128xf32, #tpu.memory_space<vmem>>, vector<16xf32>,
        %add3A_203 = arith.addf %scan3A_199, %get3A_202 : vector<16xf32>
        %scan3A_204 = arith.constant 1 : i32
        %scan3A_205 = arith.addi %scan3A_198, %scan3A_204 : i32
        %get3A_206 = arith.index_cast %scan3A_205 : i32 to index
        %get3A_207 = arith.constant 0 : index
        %get3A_208 = tpu.vector_load %arg7[%get3A_206, %get3A_207] {strides = array<i32>} : memref<128x128xf32, #tpu.memory_space<vmem>>, vector<16xf32>,
        %add3A_209 = arith.addf %add3A_203, %get3A_208 : vector<16xf32>
        %scan3A_210 = arith.constant 2 : i32
        %scan3A_211 = arith.addi %scan3A_198, %scan3A_210 : i32
        %get3A_212 = arith.index_cast %scan3A_211 : i32 to index
        %get3A_213 = arith.constant 0 : index
        %get3A_214 = tpu.vector_load %arg7[%get3A_212, %get3A_213] {strides = array<i32>} : memref<128x128xf32, #tpu.memory_space<vmem>>, vector<16xf32>,
        %add3A_215 = arith.addf %add3A_209, %get3A_214 : vector<16xf32>
        %scan3A_216 = arith.constant 3 : i32
        %scan3A_217 = arith.addi %scan3A_198, %scan3A_216 : i32
        %get3A_218 = arith.index_cast %scan3A_217 : i32 to index
        %get3A_219 = arith.constant 0 : index
        %get3A_220 = tpu.vector_load %arg7[%get3A_218, %get3A_219] {strides = array<i32>} : memref<128x128xf32, #tpu.memory_space<vmem>>, vector<16xf32>,
        %add3A_221 = arith.addf %add3A_215, %get3A_220 : vector<16xf32>
        %scan3A_222 = arith.constant 4 : i32
        %scan3A_223 = arith.addi %scan3A_198, %scan3A_222 : i32
        %get3A_224 = arith.index_cast %scan3A_223 : i32 to index
        %get3A_225 = arith.constant 0 : index
        %get3A_226 = tpu.vector_load %arg7[%get3A_224, %get3A_225] {strides = array<i32>} : memref<128x128xf32, #tpu.memory_space<vmem>>, vector<16xf32>,
        %add3A_227 = arith.addf %add3A_221, %get3A_226 : vector<16xf32>
        %scan3A_228 = arith.constant 5 : i32
        %scan3A_229 = arith.addi %scan3A_198, %scan3A_228 : i32
        %get3A_230 = arith.index_cast %scan3A_229 : i32 to index
        %get3A_231 = arith.constant 0 : index
        %get3A_232 = tpu.vector_load %arg7[%get3A_230, %get3A_231] {strides = array<i32>} : memref<128x128xf32, #tpu.memory_space<vmem>>, vector<16xf32>,
        %add3A_233 = arith.addf %add3A_227, %get3A_232 : vector<16xf32>
        %scan3A_234 = arith.constant 6 : i32
        %scan3A_235 = arith.addi %scan3A_198, %scan3A_234 : i32
        %get3A_236 = arith.index_cast %scan3A_235 : i32 to index
        %get3A_237 = arith.constant 0 : index
        %get3A_238 = tpu.vector_load %arg7[%get3A_236, %get3A_237] {strides = array<i32>} : memref<128x128xf32, #tpu.memory_space<vmem>>, vector<16xf32>,
        %add3A_239 = arith.addf %add3A_233, %get3A_238 : vector<16xf32>
        %scan3A_240 = arith.constant 7 : i32
        %scan3A_241 = arith.addi %scan3A_198, %scan3A_240 : i32
        %get3A_242 = arith.index_cast %scan3A_241 : i32 to index
        %get3A_243 = arith.constant 0 : index
        %get3A_244 = tpu.vector_load %arg7[%get3A_242, %get3A_243] {strides = array<i32>} : memref<128x128xf32, #tpu.memory_space<vmem>>, vector<16xf32>,
        %add3A_245 = arith.addf %add3A_239, %get3A_244 : vector<16xf32>
        scf.yield %add3A_245 : vector<16xf32>
      }
      %scan3A_105 = arith.constant 128 : i32
      %add3A_106 = arith.constant 0 : i32
      %add3A_107 = arith.addi %add3A_77, %add3A_106 : i32
      %min3A_108 = arith.constant 31 : i32
      %min3A_109 = arith.minsi %add3A_107, %min3A_108 : i32
      %mul3A_110 = arith.constant 4 : i32
      %mul3A_111 = arith.muli %min3A_109, %mul3A_110 : i32
      %add3A_112 = arith.constant 3 : i32
      %add3A_113 = arith.addi %mul3A_111, %add3A_112 : i32
      %dma_start3A_114 = arith.constant 0 : i32
      %dma_start3A_115 = tpu.memref_slice %arg6[%add3A_113, %dma_start3A_114] : memref<128x128xi32, #tpu.memory_space<vmem>> -> memref<1x128xi32, #tpu.memory_space<vmem>>
      %dma_start3A_116 = tpu.memref_squeeze %dma_start3A_115 : memref<1x128xi32, #tpu.memory_space<vmem>> -> memref<128xi32, #tpu.memory_space<vmem>>
      %dma_start3A_117 = arith.constant 0 : i32
      %dma_start3A_118 = arith.constant 0 : i32
      %dma_start3A_119 = tpu.memref_slice %arg3[%dma_start3A_117, %dma_start3A_118] : memref<1000000x128xf32, #tpu.memory_space<hbm>> -> memref<1000000x128xf32, #tpu.memory_space<hbm>>
      tpu.enqueue_indirect_dma source(%dma_start3A_119 : memref<1000000x128xf32, #tpu.memory_space<hbm>>) target(%arg10 : memref<128x128xf32, #tpu.memory_space<vmem>>) offsets(%dma_start3A_116 : memref<128xi32, #tpu.memory_space<vmem>>) semaphore(%arg16 : memref<!tpu.dma_semaphore, #tpu.memory_space<semaphore_mem>>)
      %dma_wait3A_120 = arith.constant 0 : i32
      %dma_wait3A_121 = arith.constant 0 : i32
      %dma_wait3A_122 = tpu.memref_slice %arg6[%dma_wait3A_120, %dma_wait3A_121] : memref<128x128xi32, #tpu.memory_space<vmem>> -> memref<1x128xi32, #tpu.memory_space<vmem>>
      %dma_wait3A_123 = tpu.memref_squeeze %dma_wait3A_122 : memref<1x128xi32, #tpu.memory_space<vmem>> -> memref<128xi32, #tpu.memory_space<vmem>>
      %dma_wait3A_124 = arith.constant 0 : i32
      %dma_wait3A_125 = arith.constant 0 : i32
      %dma_wait3A_126 = tpu.memref_slice %arg3[%dma_wait3A_124, %dma_wait3A_125] : memref<1000000x128xf32, #tpu.memory_space<hbm>> -> memref<1000000x128xf32, #tpu.memory_space<hbm>>
      tpu.wait_indirect_dma semaphore(%arg14 : memref<!tpu.dma_semaphore, #tpu.memory_space<semaphore_mem>>) src(%dma_wait3A_126 : memref<1000000x128xf32, #tpu.memory_space<hbm>>) dst(%arg8 : memref<128x128xf32, #tpu.memory_space<vmem>>)
      %scan3A_127 = arith.constant 0 : i32
      %scan3A_128 = arith.constant 128 : i32
      %scan3A_129 = arith.addi %scan3A_127, %scan3A_128 : i32
      %scan3A_130 = arith.constant 8 : i32
      %scan3A_131 = scf.for %scan3A_198 = %scan3A_127 to %scan3A_129 step %scan3A_130 iter_args(%scan3A_199 = %scan3A_104) -> (vector<16xf32>)  : i32 {
        %get3A_200 = arith.index_cast %scan3A_198 : i32 to index
        %get3A_201 = arith.constant 0 : index
        %get3A_202 = tpu.vector_load %arg8[%get3A_200, %get3A_201] {strides = array<i32>} : memref<128x128xf32, #tpu.memory_space<vmem>>, vector<16xf32>,
        %add3A_203 = arith.addf %scan3A_199, %get3A_202 : vector<16xf32>
        %scan3A_204 = arith.constant 1 : i32
        %scan3A_205 = arith.addi %scan3A_198, %scan3A_204 : i32
        %get3A_206 = arith.index_cast %scan3A_205 : i32 to index
        %get3A_207 = arith.constant 0 : index
        %get3A_208 = tpu.vector_load %arg8[%get3A_206, %get3A_207] {strides = array<i32>} : memref<128x128xf32, #tpu.memory_space<vmem>>, vector<16xf32>,
        %add3A_209 = arith.addf %add3A_203, %get3A_208 : vector<16xf32>
        %scan3A_210 = arith.constant 2 : i32
        %scan3A_211 = arith.addi %scan3A_198, %scan3A_210 : i32
        %get3A_212 = arith.index_cast %scan3A_211 : i32 to index
        %get3A_213 = arith.constant 0 : index
        %get3A_214 = tpu.vector_load %arg8[%get3A_212, %get3A_213] {strides = array<i32>} : memref<128x128xf32, #tpu.memory_space<vmem>>, vector<16xf32>,
        %add3A_215 = arith.addf %add3A_209, %get3A_214 : vector<16xf32>
        %scan3A_216 = arith.constant 3 : i32
        %scan3A_217 = arith.addi %scan3A_198, %scan3A_216 : i32
        %get3A_218 = arith.index_cast %scan3A_217 : i32 to index
        %get3A_219 = arith.constant 0 : index
        %get3A_220 = tpu.vector_load %arg8[%get3A_218, %get3A_219] {strides = array<i32>} : memref<128x128xf32, #tpu.memory_space<vmem>>, vector<16xf32>,
        %add3A_221 = arith.addf %add3A_215, %get3A_220 : vector<16xf32>
        %scan3A_222 = arith.constant 4 : i32
        %scan3A_223 = arith.addi %scan3A_198, %scan3A_222 : i32
        %get3A_224 = arith.index_cast %scan3A_223 : i32 to index
        %get3A_225 = arith.constant 0 : index
        %get3A_226 = tpu.vector_load %arg8[%get3A_224, %get3A_225] {strides = array<i32>} : memref<128x128xf32, #tpu.memory_space<vmem>>, vector<16xf32>,
        %add3A_227 = arith.addf %add3A_221, %get3A_226 : vector<16xf32>
        %scan3A_228 = arith.constant 5 : i32
        %scan3A_229 = arith.addi %scan3A_198, %scan3A_228 : i32
        %get3A_230 = arith.index_cast %scan3A_229 : i32 to index
        %get3A_231 = arith.constant 0 : index
        %get3A_232 = tpu.vector_load %arg8[%get3A_230, %get3A_231] {strides = array<i32>} : memref<128x128xf32, #tpu.memory_space<vmem>>, vector<16xf32>,
        %add3A_233 = arith.addf %add3A_227, %get3A_232 : vector<16xf32>
        %scan3A_234 = arith.constant 6 : i32
        %scan3A_235 = arith.addi %scan3A_198, %scan3A_234 : i32
        %get3A_236 = arith.index_cast %scan3A_235 : i32 to index
        %get3A_237 = arith.constant 0 : index
        %get3A_238 = tpu.vector_load %arg8[%get3A_236, %get3A_237] {strides = array<i32>} : memref<128x128xf32, #tpu.memory_space<vmem>>, vector<16xf32>,
        %add3A_239 = arith.addf %add3A_233, %get3A_238 : vector<16xf32>
        %scan3A_240 = arith.constant 7 : i32
        %scan3A_241 = arith.addi %scan3A_198, %scan3A_240 : i32
        %get3A_242 = arith.index_cast %scan3A_241 : i32 to index
        %get3A_243 = arith.constant 0 : index
        %get3A_244 = tpu.vector_load %arg8[%get3A_242, %get3A_243] {strides = array<i32>} : memref<128x128xf32, #tpu.memory_space<vmem>>, vector<16xf32>,
        %add3A_245 = arith.addf %add3A_239, %get3A_244 : vector<16xf32>
        scf.yield %add3A_245 : vector<16xf32>
      }
      %scan3A_132 = arith.constant 128 : i32
      %add3A_133 = arith.constant 1 : i32
      %add3A_134 = arith.addi %add3A_77, %add3A_133 : i32
      %min3A_135 = arith.constant 31 : i32
      %min3A_136 = arith.minsi %add3A_134, %min3A_135 : i32
      %mul3A_137 = arith.constant 4 : i32
      %mul3A_138 = arith.muli %min3A_136, %mul3A_137 : i32
      %add3A_139 = arith.constant 0 : i32
      %add3A_140 = arith.addi %mul3A_138, %add3A_139 : i32
      %dma_start3A_141 = arith.constant 0 : i32
      %dma_start3A_142 = tpu.memref_slice %arg6[%add3A_140, %dma_start3A_141] : memref<128x128xi32, #tpu.memory_space<vmem>> -> memref<1x128xi32, #tpu.memory_space<vmem>>
      %dma_start3A_143 = tpu.memref_squeeze %dma_start3A_142 : memref<1x128xi32, #tpu.memory_space<vmem>> -> memref<128xi32, #tpu.memory_space<vmem>>
      %dma_start3A_144 = arith.constant 0 : i32
      %dma_start3A_145 = arith.constant 0 : i32
      %dma_start3A_146 = tpu.memref_slice %arg3[%dma_start3A_144, %dma_start3A_145] : memref<1000000x128xf32, #tpu.memory_space<hbm>> -> memref<1000000x128xf32, #tpu.memory_space<hbm>>
      tpu.enqueue_indirect_dma source(%dma_start3A_146 : memref<1000000x128xf32, #tpu.memory_space<hbm>>) target(%arg7 : memref<128x128xf32, #tpu.memory_space<vmem>>) offsets(%dma_start3A_143 : memref<128xi32, #tpu.memory_space<vmem>>) semaphore(%arg13 : memref<!tpu.dma_semaphore, #tpu.memory_space<semaphore_mem>>)
      %dma_wait3A_147 = arith.constant 0 : i32
      %dma_wait3A_148 = arith.constant 0 : i32
      %dma_wait3A_149 = tpu.memref_slice %arg6[%dma_wait3A_147, %dma_wait3A_148] : memref<128x128xi32, #tpu.memory_space<vmem>> -> memref<1x128xi32, #tpu.memory_space<vmem>>
      %dma_wait3A_150 = tpu.memref_squeeze %dma_wait3A_149 : memref<1x128xi32, #tpu.memory_space<vmem>> -> memref<128xi32, #tpu.memory_space<vmem>>
      %dma_wait3A_151 = arith.constant 0 : i32
      %dma_wait3A_152 = arith.constant 0 : i32
      %dma_wait3A_153 = tpu.memref_slice %arg3[%dma_wait3A_151, %dma_wait3A_152] : memref<1000000x128xf32, #tpu.memory_space<hbm>> -> memref<1000000x128xf32, #tpu.memory_space<hbm>>
      tpu.wait_indirect_dma semaphore(%arg15 : memref<!tpu.dma_semaphore, #tpu.memory_space<semaphore_mem>>) src(%dma_wait3A_153 : memref<1000000x128xf32, #tpu.memory_space<hbm>>) dst(%arg9 : memref<128x128xf32, #tpu.memory_space<vmem>>)
      %scan3A_154 = arith.constant 0 : i32
      %scan3A_155 = arith.constant 128 : i32
      %scan3A_156 = arith.addi %scan3A_154, %scan3A_155 : i32
      %scan3A_157 = arith.constant 8 : i32
      %scan3A_158 = scf.for %scan3A_198 = %scan3A_154 to %scan3A_156 step %scan3A_157 iter_args(%scan3A_199 = %scan3A_131) -> (vector<16xf32>)  : i32 {
        %get3A_200 = arith.index_cast %scan3A_198 : i32 to index
        %get3A_201 = arith.constant 0 : index
        %get3A_202 = tpu.vector_load %arg9[%get3A_200, %get3A_201] {strides = array<i32>} : memref<128x128xf32, #tpu.memory_space<vmem>>, vector<16xf32>,
        %add3A_203 = arith.addf %scan3A_199, %get3A_202 : vector<16xf32>
        %scan3A_204 = arith.constant 1 : i32
        %scan3A_205 = arith.addi %scan3A_198, %scan3A_204 : i32
        %get3A_206 = arith.index_cast %scan3A_205 : i32 to index
        %get3A_207 = arith.constant 0 : index
        %get3A_208 = tpu.vector_load %arg9[%get3A_206, %get3A_207] {strides = array<i32>} : memref<128x128xf32, #tpu.memory_space<vmem>>, vector<16xf32>,
        %add3A_209 = arith.addf %add3A_203, %get3A_208 : vector<16xf32>
        %scan3A_210 = arith.constant 2 : i32
        %scan3A_211 = arith.addi %scan3A_198, %scan3A_210 : i32
        %get3A_212 = arith.index_cast %scan3A_211 : i32 to index
        %get3A_213 = arith.constant 0 : index
        %get3A_214 = tpu.vector_load %arg9[%get3A_212, %get3A_213] {strides = array<i32>} : memref<128x128xf32, #tpu.memory_space<vmem>>, vector<16xf32>,
        %add3A_215 = arith.addf %add3A_209, %get3A_214 : vector<16xf32>
        %scan3A_216 = arith.constant 3 : i32
        %scan3A_217 = arith.addi %scan3A_198, %scan3A_216 : i32
        %get3A_218 = arith.index_cast %scan3A_217 : i32 to index
        %get3A_219 = arith.constant 0 : index
        %get3A_220 = tpu.vector_load %arg9[%get3A_218, %get3A_219] {strides = array<i32>} : memref<128x128xf32, #tpu.memory_space<vmem>>, vector<16xf32>,
        %add3A_221 = arith.addf %add3A_215, %get3A_220 : vector<16xf32>
        %scan3A_222 = arith.constant 4 : i32
        %scan3A_223 = arith.addi %scan3A_198, %scan3A_222 : i32
        %get3A_224 = arith.index_cast %scan3A_223 : i32 to index
        %get3A_225 = arith.constant 0 : index
        %get3A_226 = tpu.vector_load %arg9[%get3A_224, %get3A_225] {strides = array<i32>} : memref<128x128xf32, #tpu.memory_space<vmem>>, vector<16xf32>,
        %add3A_227 = arith.addf %add3A_221, %get3A_226 : vector<16xf32>
        %scan3A_228 = arith.constant 5 : i32
        %scan3A_229 = arith.addi %scan3A_198, %scan3A_228 : i32
        %get3A_230 = arith.index_cast %scan3A_229 : i32 to index
        %get3A_231 = arith.constant 0 : index
        %get3A_232 = tpu.vector_load %arg9[%get3A_230, %get3A_231] {strides = array<i32>} : memref<128x128xf32, #tpu.memory_space<vmem>>, vector<16xf32>,
        %add3A_233 = arith.addf %add3A_227, %get3A_232 : vector<16xf32>
        %scan3A_234 = arith.constant 6 : i32
        %scan3A_235 = arith.addi %scan3A_198, %scan3A_234 : i32
        %get3A_236 = arith.index_cast %scan3A_235 : i32 to index
        %get3A_237 = arith.constant 0 : index
        %get3A_238 = tpu.vector_load %arg9[%get3A_236, %get3A_237] {strides = array<i32>} : memref<128x128xf32, #tpu.memory_space<vmem>>, vector<16xf32>,
        %add3A_239 = arith.addf %add3A_233, %get3A_238 : vector<16xf32>
        %scan3A_240 = arith.constant 7 : i32
        %scan3A_241 = arith.addi %scan3A_198, %scan3A_240 : i32
        %get3A_242 = arith.index_cast %scan3A_241 : i32 to index
        %get3A_243 = arith.constant 0 : index
        %get3A_244 = tpu.vector_load %arg9[%get3A_242, %get3A_243] {strides = array<i32>} : memref<128x128xf32, #tpu.memory_space<vmem>>, vector<16xf32>,
        %add3A_245 = arith.addf %add3A_239, %get3A_244 : vector<16xf32>
        scf.yield %add3A_245 : vector<16xf32>
      }
      %scan3A_159 = arith.constant 128 : i32
      %add3A_160 = arith.constant 1 : i32
      %add3A_161 = arith.addi %add3A_77, %add3A_160 : i32
      %min3A_162 = arith.constant 31 : i32
      %min3A_163 = arith.minsi %add3A_161, %min3A_162 : i32
      %mul3A_164 = arith.constant 4 : i32
      %mul3A_165 = arith.muli %min3A_163, %mul3A_164 : i32
      %add3A_166 = arith.constant 1 : i32
      %add3A_167 = arith.addi %mul3A_165, %add3A_166 : i32
      %dma_start3A_168 = arith.constant 0 : i32
      %dma_start3A_169 = tpu.memref_slice %arg6[%add3A_167, %dma_start3A_168] : memref<128x128xi32, #tpu.memory_space<vmem>> -> memref<1x128xi32, #tpu.memory_space<vmem>>
      %dma_start3A_170 = tpu.memref_squeeze %dma_start3A_169 : memref<1x128xi32, #tpu.memory_space<vmem>> -> memref<128xi32, #tpu.memory_space<vmem>>
      %dma_start3A_171 = arith.constant 0 : i32
      %dma_start3A_172 = arith.constant 0 : i32
      %dma_start3A_173 = tpu.memref_slice %arg3[%dma_start3A_171, %dma_start3A_172] : memref<1000000x128xf32, #tpu.memory_space<hbm>> -> memref<1000000x128xf32, #tpu.memory_space<hbm>>
      tpu.enqueue_indirect_dma source(%dma_start3A_173 : memref<1000000x128xf32, #tpu.memory_space<hbm>>) target(%arg8 : memref<128x128xf32, #tpu.memory_space<vmem>>) offsets(%dma_start3A_170 : memref<128xi32, #tpu.memory_space<vmem>>) semaphore(%arg14 : memref<!tpu.dma_semaphore, #tpu.memory_space<semaphore_mem>>)
      %dma_wait3A_174 = arith.constant 0 : i32
      %dma_wait3A_175 = arith.constant 0 : i32
      %dma_wait3A_176 = tpu.memref_slice %arg6[%dma_wait3A_174, %dma_wait3A_175] : memref<128x128xi32, #tpu.memory_space<vmem>> -> memref<1x128xi32, #tpu.memory_space<vmem>>
      %dma_wait3A_177 = tpu.memref_squeeze %dma_wait3A_176 : memref<1x128xi32, #tpu.memory_space<vmem>> -> memref<128xi32, #tpu.memory_space<vmem>>
      %dma_wait3A_178 = arith.constant 0 : i32
      %dma_wait3A_179 = arith.constant 0 : i32
      %dma_wait3A_180 = tpu.memref_slice %arg3[%dma_wait3A_178, %dma_wait3A_179] : memref<1000000x128xf32, #tpu.memory_space<hbm>> -> memref<1000000x128xf32, #tpu.memory_space<hbm>>
      tpu.wait_indirect_dma semaphore(%arg16 : memref<!tpu.dma_semaphore, #tpu.memory_space<semaphore_mem>>) src(%dma_wait3A_180 : memref<1000000x128xf32, #tpu.memory_space<hbm>>) dst(%arg10 : memref<128x128xf32, #tpu.memory_space<vmem>>)
      %scan3A_181 = arith.constant 0 : i32
      %scan3A_182 = arith.constant 128 : i32
      %scan3A_183 = arith.addi %scan3A_181, %scan3A_182 : i32
      %scan3A_184 = arith.constant 8 : i32
      %scan3A_185 = scf.for %scan3A_198 = %scan3A_181 to %scan3A_183 step %scan3A_184 iter_args(%scan3A_199 = %scan3A_158) -> (vector<16xf32>)  : i32 {
        %get3A_200 = arith.index_cast %scan3A_198 : i32 to index
        %get3A_201 = arith.constant 0 : index
        %get3A_202 = tpu.vector_load %arg10[%get3A_200, %get3A_201] {strides = array<i32>} : memref<128x128xf32, #tpu.memory_space<vmem>>, vector<16xf32>,
        %add3A_203 = arith.addf %scan3A_199, %get3A_202 : vector<16xf32>
        %scan3A_204 = arith.constant 1 : i32
        %scan3A_205 = arith.addi %scan3A_198, %scan3A_204 : i32
        %get3A_206 = arith.index_cast %scan3A_205 : i32 to index
        %get3A_207 = arith.constant 0 : index
        %get3A_208 = tpu.vector_load %arg10[%get3A_206, %get3A_207] {strides = array<i32>} : memref<128x128xf32, #tpu.memory_space<vmem>>, vector<16xf32>,
        %add3A_209 = arith.addf %add3A_203, %get3A_208 : vector<16xf32>
        %scan3A_210 = arith.constant 2 : i32
        %scan3A_211 = arith.addi %scan3A_198, %scan3A_210 : i32
        %get3A_212 = arith.index_cast %scan3A_211 : i32 to index
        %get3A_213 = arith.constant 0 : index
        %get3A_214 = tpu.vector_load %arg10[%get3A_212, %get3A_213] {strides = array<i32>} : memref<128x128xf32, #tpu.memory_space<vmem>>, vector<16xf32>,
        %add3A_215 = arith.addf %add3A_209, %get3A_214 : vector<16xf32>
        %scan3A_216 = arith.constant 3 : i32
        %scan3A_217 = arith.addi %scan3A_198, %scan3A_216 : i32
        %get3A_218 = arith.index_cast %scan3A_217 : i32 to index
        %get3A_219 = arith.constant 0 : index
        %get3A_220 = tpu.vector_load %arg10[%get3A_218, %get3A_219] {strides = array<i32>} : memref<128x128xf32, #tpu.memory_space<vmem>>, vector<16xf32>,
        %add3A_221 = arith.addf %add3A_215, %get3A_220 : vector<16xf32>
        %scan3A_222 = arith.constant 4 : i32
        %scan3A_223 = arith.addi %scan3A_198, %scan3A_222 : i32
        %get3A_224 = arith.index_cast %scan3A_223 : i32 to index
        %get3A_225 = arith.constant 0 : index
        %get3A_226 = tpu.vector_load %arg10[%get3A_224, %get3A_225] {strides = array<i32>} : memref<128x128xf32, #tpu.memory_space<vmem>>, vector<16xf32>,
        %add3A_227 = arith.addf %add3A_221, %get3A_226 : vector<16xf32>
        %scan3A_228 = arith.constant 5 : i32
        %scan3A_229 = arith.addi %scan3A_198, %scan3A_228 : i32
        %get3A_230 = arith.index_cast %scan3A_229 : i32 to index
        %get3A_231 = arith.constant 0 : index
        %get3A_232 = tpu.vector_load %arg10[%get3A_230, %get3A_231] {strides = array<i32>} : memref<128x128xf32, #tpu.memory_space<vmem>>, vector<16xf32>,
        %add3A_233 = arith.addf %add3A_227, %get3A_232 : vector<16xf32>
        %scan3A_234 = arith.constant 6 : i32
        %scan3A_235 = arith.addi %scan3A_198, %scan3A_234 : i32
        %get3A_236 = arith.index_cast %scan3A_235 : i32 to index
        %get3A_237 = arith.constant 0 : index
        %get3A_238 = tpu.vector_load %arg10[%get3A_236, %get3A_237] {strides = array<i32>} : memref<128x128xf32, #tpu.memory_space<vmem>>, vector<16xf32>,
        %add3A_239 = arith.addf %add3A_233, %get3A_238 : vector<16xf32>
        %scan3A_240 = arith.constant 7 : i32
        %scan3A_241 = arith.addi %scan3A_198, %scan3A_240 : i32
        %get3A_242 = arith.index_cast %scan3A_241 : i32 to index
        %get3A_243 = arith.constant 0 : index
        %get3A_244 = tpu.vector_load %arg10[%get3A_242, %get3A_243] {strides = array<i32>} : memref<128x128xf32, #tpu.memory_space<vmem>>, vector<16xf32>,
        %add3A_245 = arith.addf %add3A_239, %get3A_244 : vector<16xf32>
        scf.yield %add3A_245 : vector<16xf32>
      }
      %scan3A_186 = arith.constant 128 : i32
      %mul3A_187 = arith.constant 0.001953125 : f32
      %mul3A_188 = vector.broadcast %mul3A_187 : f32 to vector<16xf32>
      %mul3A_189 = arith.mulf %scan3A_185, %mul3A_188 : vector<16xf32>
      %max3A = arith.constant 0.000000e+00 : f32
      %max3A_190 = vector.broadcast %max3A : f32 to vector<16xf32>
      %max3A_191 = arith.maximumf %mul3A_189, %max3A_190 : vector<16xf32>
      %mul3A_192 = arith.mulf %max3A_191, %get3A_20 : vector<16xf32>
      %reduce_sum3A = arith.constant true
      %reduce_sum3A_193 = vector.broadcast %reduce_sum3A : i1 to vector<16xi1>
      %reduce_sum3A_194 = tpu.scan <sum>, %mul3A_192 masked %reduce_sum3A_193 : vector<16xf32>, vector<16xi1> -> vector<16xf32>
      %reduce_sum3A_195 = vector.extract %reduce_sum3A_194[15] : f32 from vector<16xf32>
      %eq3A = vector.broadcast %scan3A_74 : i32 to vector<16xi32>
      %eq3A_196 = arith.cmpi eq, %iota3A, %eq3A : vector<16xi32>
      %broadcast_in_dim3A_197 = vector.broadcast %reduce_sum3A_195 : f32 to vector<16xf32>
      %select_n3A = arith.select %eq3A_196, %broadcast_in_dim3A_197, %scan3A_75 : vector<16xi1>, vector<16xf32>
      scf.yield %select_n3A : vector<16xf32>
    }
    %scan3A_30 = arith.constant 16 : i32
    %add3A_31 = arith.addf %scan3A_29, %get3A_24 : vector<16xf32>
    %neg3A = arith.constant 0.000000e+00 : f32
    %neg3A_32 = vector.broadcast %neg3A : f32 to vector<16xf32>
    %neg3A_33 = arith.subf %neg3A_32, %add3A_31 : vector<16xf32>
    %exp3A = math.exp %neg3A_33 : vector<16xf32>
    %add3A_34 = arith.constant 1.000000e+00 : f32
    %add3A_35 = vector.broadcast %add3A_34 : f32 to vector<16xf32>
    %add3A_36 = arith.addf %add3A_35, %exp3A : vector<16xf32>
    %div3A = arith.constant 1.000000e+00 : f32
    %div3A_37 = vector.broadcast %div3A : f32 to vector<16xf32>
    %div3A_38 = arith.divf %div3A_37, %add3A_36 : vector<16xf32>
    %swap3A = arith.constant 0 : index
    %swap3A_39 = tpu.vector_load %arg11[%swap3A] {strides = array<i32>} : memref<32xf32, #tpu.memory_space<vmem>>, vector<16xf32>,
    tpu.vector_store %arg11[%swap3A], %div3A_38 {strides = array<i32>} : memref<32xf32, #tpu.memory_space<vmem>>, vector<16xf32>,
    %broadcast_in_dim3A_40 = arith.constant 0.000000e+00 : f32
    %broadcast_in_dim3A_41 = vector.broadcast %broadcast_in_dim3A_40 : f32 to vector<16xf32>
    %scan3A_42 = arith.constant 0 : i32
    %scan3A_43 = arith.constant 16 : i32
    %scan3A_44 = arith.addi %scan3A_42, %scan3A_43 : i32
    %scan3A_45 = arith.constant 1 : i32
    %scan3A_46 = scf.for %scan3A_74 = %scan3A_42 to %scan3A_44 step %scan3A_45 iter_args(%scan3A_75 = %broadcast_in_dim3A_41) -> (vector<16xf32>)  : i32 {
      %add3A_76 = arith.constant 16 : i32
      %add3A_77 = arith.addi %add3A_76, %scan3A_74 : i32
      %broadcast_in_dim3A_78 = arith.constant 0.000000e+00 : f32
      %broadcast_in_dim3A_79 = vector.broadcast %broadcast_in_dim3A_78 : f32 to vector<16xf32>
      %add3A_80 = arith.constant 0 : i32
      %add3A_81 = arith.addi %add3A_77, %add3A_80 : i32
      %min3A = arith.constant 31 : i32
      %min3A_82 = arith.minsi %add3A_81, %min3A : i32
      %mul3A_83 = arith.constant 4 : i32
      %mul3A_84 = arith.muli %min3A_82, %mul3A_83 : i32
      %add3A_85 = arith.constant 2 : i32
      %add3A_86 = arith.addi %mul3A_84, %add3A_85 : i32
      %dma_start3A_87 = arith.constant 0 : i32
      %dma_start3A_88 = tpu.memref_slice %arg6[%add3A_86, %dma_start3A_87] : memref<128x128xi32, #tpu.memory_space<vmem>> -> memref<1x128xi32, #tpu.memory_space<vmem>>
      %dma_start3A_89 = tpu.memref_squeeze %dma_start3A_88 : memref<1x128xi32, #tpu.memory_space<vmem>> -> memref<128xi32, #tpu.memory_space<vmem>>
      %dma_start3A_90 = arith.constant 0 : i32
      %dma_start3A_91 = arith.constant 0 : i32
      %dma_start3A_92 = tpu.memref_slice %arg3[%dma_start3A_90, %dma_start3A_91] : memref<1000000x128xf32, #tpu.memory_space<hbm>> -> memref<1000000x128xf32, #tpu.memory_space<hbm>>
      tpu.enqueue_indirect_dma source(%dma_start3A_92 : memref<1000000x128xf32, #tpu.memory_space<hbm>>) target(%arg9 : memref<128x128xf32, #tpu.memory_space<vmem>>) offsets(%dma_start3A_89 : memref<128xi32, #tpu.memory_space<vmem>>) semaphore(%arg15 : memref<!tpu.dma_semaphore, #tpu.memory_space<semaphore_mem>>)
      %dma_wait3A_93 = arith.constant 0 : i32
      %dma_wait3A_94 = arith.constant 0 : i32
      %dma_wait3A_95 = tpu.memref_slice %arg6[%dma_wait3A_93, %dma_wait3A_94] : memref<128x128xi32, #tpu.memory_space<vmem>> -> memref<1x128xi32, #tpu.memory_space<vmem>>
      %dma_wait3A_96 = tpu.memref_squeeze %dma_wait3A_95 : memref<1x128xi32, #tpu.memory_space<vmem>> -> memref<128xi32, #tpu.memory_space<vmem>>
      %dma_wait3A_97 = arith.constant 0 : i32
      %dma_wait3A_98 = arith.constant 0 : i32
      %dma_wait3A_99 = tpu.memref_slice %arg3[%dma_wait3A_97, %dma_wait3A_98] : memref<1000000x128xf32, #tpu.memory_space<hbm>> -> memref<1000000x128xf32, #tpu.memory_space<hbm>>
      tpu.wait_indirect_dma semaphore(%arg13 : memref<!tpu.dma_semaphore, #tpu.memory_space<semaphore_mem>>) src(%dma_wait3A_99 : memref<1000000x128xf32, #tpu.memory_space<hbm>>) dst(%arg7 : memref<128x128xf32, #tpu.memory_space<vmem>>)
      %scan3A_100 = arith.constant 0 : i32
      %scan3A_101 = arith.constant 128 : i32
      %scan3A_102 = arith.addi %scan3A_100, %scan3A_101 : i32
      %scan3A_103 = arith.constant 8 : i32
      %scan3A_104 = scf.for %scan3A_198 = %scan3A_100 to %scan3A_102 step %scan3A_103 iter_args(%scan3A_199 = %broadcast_in_dim3A_79) -> (vector<16xf32>)  : i32 {
        %get3A_200 = arith.index_cast %scan3A_198 : i32 to index
        %get3A_201 = arith.constant 0 : index
        %get3A_202 = tpu.vector_load %arg7[%get3A_200, %get3A_201] {strides = array<i32>} : memref<128x128xf32, #tpu.memory_space<vmem>>, vector<16xf32>,
        %add3A_203 = arith.addf %scan3A_199, %get3A_202 : vector<16xf32>
        %scan3A_204 = arith.constant 1 : i32
        %scan3A_205 = arith.addi %scan3A_198, %scan3A_204 : i32
        %get3A_206 = arith.index_cast %scan3A_205 : i32 to index
        %get3A_207 = arith.constant 0 : index
        %get3A_208 = tpu.vector_load %arg7[%get3A_206, %get3A_207] {strides = array<i32>} : memref<128x128xf32, #tpu.memory_space<vmem>>, vector<16xf32>,
        %add3A_209 = arith.addf %add3A_203, %get3A_208 : vector<16xf32>
        %scan3A_210 = arith.constant 2 : i32
        %scan3A_211 = arith.addi %scan3A_198, %scan3A_210 : i32
        %get3A_212 = arith.index_cast %scan3A_211 : i32 to index
        %get3A_213 = arith.constant 0 : index
        %get3A_214 = tpu.vector_load %arg7[%get3A_212, %get3A_213] {strides = array<i32>} : memref<128x128xf32, #tpu.memory_space<vmem>>, vector<16xf32>,
        %add3A_215 = arith.addf %add3A_209, %get3A_214 : vector<16xf32>
        %scan3A_216 = arith.constant 3 : i32
        %scan3A_217 = arith.addi %scan3A_198, %scan3A_216 : i32
        %get3A_218 = arith.index_cast %scan3A_217 : i32 to index
        %get3A_219 = arith.constant 0 : index
        %get3A_220 = tpu.vector_load %arg7[%get3A_218, %get3A_219] {strides = array<i32>} : memref<128x128xf32, #tpu.memory_space<vmem>>, vector<16xf32>,
        %add3A_221 = arith.addf %add3A_215, %get3A_220 : vector<16xf32>
        %scan3A_222 = arith.constant 4 : i32
        %scan3A_223 = arith.addi %scan3A_198, %scan3A_222 : i32
        %get3A_224 = arith.index_cast %scan3A_223 : i32 to index
        %get3A_225 = arith.constant 0 : index
        %get3A_226 = tpu.vector_load %arg7[%get3A_224, %get3A_225] {strides = array<i32>} : memref<128x128xf32, #tpu.memory_space<vmem>>, vector<16xf32>,
        %add3A_227 = arith.addf %add3A_221, %get3A_226 : vector<16xf32>
        %scan3A_228 = arith.constant 5 : i32
        %scan3A_229 = arith.addi %scan3A_198, %scan3A_228 : i32
        %get3A_230 = arith.index_cast %scan3A_229 : i32 to index
        %get3A_231 = arith.constant 0 : index
        %get3A_232 = tpu.vector_load %arg7[%get3A_230, %get3A_231] {strides = array<i32>} : memref<128x128xf32, #tpu.memory_space<vmem>>, vector<16xf32>,
        %add3A_233 = arith.addf %add3A_227, %get3A_232 : vector<16xf32>
        %scan3A_234 = arith.constant 6 : i32
        %scan3A_235 = arith.addi %scan3A_198, %scan3A_234 : i32
        %get3A_236 = arith.index_cast %scan3A_235 : i32 to index
        %get3A_237 = arith.constant 0 : index
        %get3A_238 = tpu.vector_load %arg7[%get3A_236, %get3A_237] {strides = array<i32>} : memref<128x128xf32, #tpu.memory_space<vmem>>, vector<16xf32>,
        %add3A_239 = arith.addf %add3A_233, %get3A_238 : vector<16xf32>
        %scan3A_240 = arith.constant 7 : i32
        %scan3A_241 = arith.addi %scan3A_198, %scan3A_240 : i32
        %get3A_242 = arith.index_cast %scan3A_241 : i32 to index
        %get3A_243 = arith.constant 0 : index
        %get3A_244 = tpu.vector_load %arg7[%get3A_242, %get3A_243] {strides = array<i32>} : memref<128x128xf32, #tpu.memory_space<vmem>>, vector<16xf32>,
        %add3A_245 = arith.addf %add3A_239, %get3A_244 : vector<16xf32>
        scf.yield %add3A_245 : vector<16xf32>
      }
      %scan3A_105 = arith.constant 128 : i32
      %add3A_106 = arith.constant 0 : i32
      %add3A_107 = arith.addi %add3A_77, %add3A_106 : i32
      %min3A_108 = arith.constant 31 : i32
      %min3A_109 = arith.minsi %add3A_107, %min3A_108 : i32
      %mul3A_110 = arith.constant 4 : i32
      %mul3A_111 = arith.muli %min3A_109, %mul3A_110 : i32
      %add3A_112 = arith.constant 3 : i32
      %add3A_113 = arith.addi %mul3A_111, %add3A_112 : i32
      %dma_start3A_114 = arith.constant 0 : i32
      %dma_start3A_115 = tpu.memref_slice %arg6[%add3A_113, %dma_start3A_114] : memref<128x128xi32, #tpu.memory_space<vmem>> -> memref<1x128xi32, #tpu.memory_space<vmem>>
      %dma_start3A_116 = tpu.memref_squeeze %dma_start3A_115 : memref<1x128xi32, #tpu.memory_space<vmem>> -> memref<128xi32, #tpu.memory_space<vmem>>
      %dma_start3A_117 = arith.constant 0 : i32
      %dma_start3A_118 = arith.constant 0 : i32
      %dma_start3A_119 = tpu.memref_slice %arg3[%dma_start3A_117, %dma_start3A_118] : memref<1000000x128xf32, #tpu.memory_space<hbm>> -> memref<1000000x128xf32, #tpu.memory_space<hbm>>
      tpu.enqueue_indirect_dma source(%dma_start3A_119 : memref<1000000x128xf32, #tpu.memory_space<hbm>>) target(%arg10 : memref<128x128xf32, #tpu.memory_space<vmem>>) offsets(%dma_start3A_116 : memref<128xi32, #tpu.memory_space<vmem>>) semaphore(%arg16 : memref<!tpu.dma_semaphore, #tpu.memory_space<semaphore_mem>>)
      %dma_wait3A_120 = arith.constant 0 : i32
      %dma_wait3A_121 = arith.constant 0 : i32
      %dma_wait3A_122 = tpu.memref_slice %arg6[%dma_wait3A_120, %dma_wait3A_121] : memref<128x128xi32, #tpu.memory_space<vmem>> -> memref<1x128xi32, #tpu.memory_space<vmem>>
      %dma_wait3A_123 = tpu.memref_squeeze %dma_wait3A_122 : memref<1x128xi32, #tpu.memory_space<vmem>> -> memref<128xi32, #tpu.memory_space<vmem>>
      %dma_wait3A_124 = arith.constant 0 : i32
      %dma_wait3A_125 = arith.constant 0 : i32
      %dma_wait3A_126 = tpu.memref_slice %arg3[%dma_wait3A_124, %dma_wait3A_125] : memref<1000000x128xf32, #tpu.memory_space<hbm>> -> memref<1000000x128xf32, #tpu.memory_space<hbm>>
      tpu.wait_indirect_dma semaphore(%arg14 : memref<!tpu.dma_semaphore, #tpu.memory_space<semaphore_mem>>) src(%dma_wait3A_126 : memref<1000000x128xf32, #tpu.memory_space<hbm>>) dst(%arg8 : memref<128x128xf32, #tpu.memory_space<vmem>>)
      %scan3A_127 = arith.constant 0 : i32
      %scan3A_128 = arith.constant 128 : i32
      %scan3A_129 = arith.addi %scan3A_127, %scan3A_128 : i32
      %scan3A_130 = arith.constant 8 : i32
      %scan3A_131 = scf.for %scan3A_198 = %scan3A_127 to %scan3A_129 step %scan3A_130 iter_args(%scan3A_199 = %scan3A_104) -> (vector<16xf32>)  : i32 {
        %get3A_200 = arith.index_cast %scan3A_198 : i32 to index
        %get3A_201 = arith.constant 0 : index
        %get3A_202 = tpu.vector_load %arg8[%get3A_200, %get3A_201] {strides = array<i32>} : memref<128x128xf32, #tpu.memory_space<vmem>>, vector<16xf32>,
        %add3A_203 = arith.addf %scan3A_199, %get3A_202 : vector<16xf32>
        %scan3A_204 = arith.constant 1 : i32
        %scan3A_205 = arith.addi %scan3A_198, %scan3A_204 : i32
        %get3A_206 = arith.index_cast %scan3A_205 : i32 to index
        %get3A_207 = arith.constant 0 : index
        %get3A_208 = tpu.vector_load %arg8[%get3A_206, %get3A_207] {strides = array<i32>} : memref<128x128xf32, #tpu.memory_space<vmem>>, vector<16xf32>,
        %add3A_209 = arith.addf %add3A_203, %get3A_208 : vector<16xf32>
        %scan3A_210 = arith.constant 2 : i32
        %scan3A_211 = arith.addi %scan3A_198, %scan3A_210 : i32
        %get3A_212 = arith.index_cast %scan3A_211 : i32 to index
        %get3A_213 = arith.constant 0 : index
        %get3A_214 = tpu.vector_load %arg8[%get3A_212, %get3A_213] {strides = array<i32>} : memref<128x128xf32, #tpu.memory_space<vmem>>, vector<16xf32>,
        %add3A_215 = arith.addf %add3A_209, %get3A_214 : vector<16xf32>
        %scan3A_216 = arith.constant 3 : i32
        %scan3A_217 = arith.addi %scan3A_198, %scan3A_216 : i32
        %get3A_218 = arith.index_cast %scan3A_217 : i32 to index
        %get3A_219 = arith.constant 0 : index
        %get3A_220 = tpu.vector_load %arg8[%get3A_218, %get3A_219] {strides = array<i32>} : memref<128x128xf32, #tpu.memory_space<vmem>>, vector<16xf32>,
        %add3A_221 = arith.addf %add3A_215, %get3A_220 : vector<16xf32>
        %scan3A_222 = arith.constant 4 : i32
        %scan3A_223 = arith.addi %scan3A_198, %scan3A_222 : i32
        %get3A_224 = arith.index_cast %scan3A_223 : i32 to index
        %get3A_225 = arith.constant 0 : index
        %get3A_226 = tpu.vector_load %arg8[%get3A_224, %get3A_225] {strides = array<i32>} : memref<128x128xf32, #tpu.memory_space<vmem>>, vector<16xf32>,
        %add3A_227 = arith.addf %add3A_221, %get3A_226 : vector<16xf32>
        %scan3A_228 = arith.constant 5 : i32
        %scan3A_229 = arith.addi %scan3A_198, %scan3A_228 : i32
        %get3A_230 = arith.index_cast %scan3A_229 : i32 to index
        %get3A_231 = arith.constant 0 : index
        %get3A_232 = tpu.vector_load %arg8[%get3A_230, %get3A_231] {strides = array<i32>} : memref<128x128xf32, #tpu.memory_space<vmem>>, vector<16xf32>,
        %add3A_233 = arith.addf %add3A_227, %get3A_232 : vector<16xf32>
        %scan3A_234 = arith.constant 6 : i32
        %scan3A_235 = arith.addi %scan3A_198, %scan3A_234 : i32
        %get3A_236 = arith.index_cast %scan3A_235 : i32 to index
        %get3A_237 = arith.constant 0 : index
        %get3A_238 = tpu.vector_load %arg8[%get3A_236, %get3A_237] {strides = array<i32>} : memref<128x128xf32, #tpu.memory_space<vmem>>, vector<16xf32>,
        %add3A_239 = arith.addf %add3A_233, %get3A_238 : vector<16xf32>
        %scan3A_240 = arith.constant 7 : i32
        %scan3A_241 = arith.addi %scan3A_198, %scan3A_240 : i32
        %get3A_242 = arith.index_cast %scan3A_241 : i32 to index
        %get3A_243 = arith.constant 0 : index
        %get3A_244 = tpu.vector_load %arg8[%get3A_242, %get3A_243] {strides = array<i32>} : memref<128x128xf32, #tpu.memory_space<vmem>>, vector<16xf32>,
        %add3A_245 = arith.addf %add3A_239, %get3A_244 : vector<16xf32>
        scf.yield %add3A_245 : vector<16xf32>
      }
      %scan3A_132 = arith.constant 128 : i32
      %add3A_133 = arith.constant 1 : i32
      %add3A_134 = arith.addi %add3A_77, %add3A_133 : i32
      %min3A_135 = arith.constant 31 : i32
      %min3A_136 = arith.minsi %add3A_134, %min3A_135 : i32
      %mul3A_137 = arith.constant 4 : i32
      %mul3A_138 = arith.muli %min3A_136, %mul3A_137 : i32
      %add3A_139 = arith.constant 0 : i32
      %add3A_140 = arith.addi %mul3A_138, %add3A_139 : i32
      %dma_start3A_141 = arith.constant 0 : i32
      %dma_start3A_142 = tpu.memref_slice %arg6[%add3A_140, %dma_start3A_141] : memref<128x128xi32, #tpu.memory_space<vmem>> -> memref<1x128xi32, #tpu.memory_space<vmem>>
      %dma_start3A_143 = tpu.memref_squeeze %dma_start3A_142 : memref<1x128xi32, #tpu.memory_space<vmem>> -> memref<128xi32, #tpu.memory_space<vmem>>
      %dma_start3A_144 = arith.constant 0 : i32
      %dma_start3A_145 = arith.constant 0 : i32
      %dma_start3A_146 = tpu.memref_slice %arg3[%dma_start3A_144, %dma_start3A_145] : memref<1000000x128xf32, #tpu.memory_space<hbm>> -> memref<1000000x128xf32, #tpu.memory_space<hbm>>
      tpu.enqueue_indirect_dma source(%dma_start3A_146 : memref<1000000x128xf32, #tpu.memory_space<hbm>>) target(%arg7 : memref<128x128xf32, #tpu.memory_space<vmem>>) offsets(%dma_start3A_143 : memref<128xi32, #tpu.memory_space<vmem>>) semaphore(%arg13 : memref<!tpu.dma_semaphore, #tpu.memory_space<semaphore_mem>>)
      %dma_wait3A_147 = arith.constant 0 : i32
      %dma_wait3A_148 = arith.constant 0 : i32
      %dma_wait3A_149 = tpu.memref_slice %arg6[%dma_wait3A_147, %dma_wait3A_148] : memref<128x128xi32, #tpu.memory_space<vmem>> -> memref<1x128xi32, #tpu.memory_space<vmem>>
      %dma_wait3A_150 = tpu.memref_squeeze %dma_wait3A_149 : memref<1x128xi32, #tpu.memory_space<vmem>> -> memref<128xi32, #tpu.memory_space<vmem>>
      %dma_wait3A_151 = arith.constant 0 : i32
      %dma_wait3A_152 = arith.constant 0 : i32
      %dma_wait3A_153 = tpu.memref_slice %arg3[%dma_wait3A_151, %dma_wait3A_152] : memref<1000000x128xf32, #tpu.memory_space<hbm>> -> memref<1000000x128xf32, #tpu.memory_space<hbm>>
      tpu.wait_indirect_dma semaphore(%arg15 : memref<!tpu.dma_semaphore, #tpu.memory_space<semaphore_mem>>) src(%dma_wait3A_153 : memref<1000000x128xf32, #tpu.memory_space<hbm>>) dst(%arg9 : memref<128x128xf32, #tpu.memory_space<vmem>>)
      %scan3A_154 = arith.constant 0 : i32
      %scan3A_155 = arith.constant 128 : i32
      %scan3A_156 = arith.addi %scan3A_154, %scan3A_155 : i32
      %scan3A_157 = arith.constant 8 : i32
      %scan3A_158 = scf.for %scan3A_198 = %scan3A_154 to %scan3A_156 step %scan3A_157 iter_args(%scan3A_199 = %scan3A_131) -> (vector<16xf32>)  : i32 {
        %get3A_200 = arith.index_cast %scan3A_198 : i32 to index
        %get3A_201 = arith.constant 0 : index
        %get3A_202 = tpu.vector_load %arg9[%get3A_200, %get3A_201] {strides = array<i32>} : memref<128x128xf32, #tpu.memory_space<vmem>>, vector<16xf32>,
        %add3A_203 = arith.addf %scan3A_199, %get3A_202 : vector<16xf32>
        %scan3A_204 = arith.constant 1 : i32
        %scan3A_205 = arith.addi %scan3A_198, %scan3A_204 : i32
        %get3A_206 = arith.index_cast %scan3A_205 : i32 to index
        %get3A_207 = arith.constant 0 : index
        %get3A_208 = tpu.vector_load %arg9[%get3A_206, %get3A_207] {strides = array<i32>} : memref<128x128xf32, #tpu.memory_space<vmem>>, vector<16xf32>,
        %add3A_209 = arith.addf %add3A_203, %get3A_208 : vector<16xf32>
        %scan3A_210 = arith.constant 2 : i32
        %scan3A_211 = arith.addi %scan3A_198, %scan3A_210 : i32
        %get3A_212 = arith.index_cast %scan3A_211 : i32 to index
        %get3A_213 = arith.constant 0 : index
        %get3A_214 = tpu.vector_load %arg9[%get3A_212, %get3A_213] {strides = array<i32>} : memref<128x128xf32, #tpu.memory_space<vmem>>, vector<16xf32>,
        %add3A_215 = arith.addf %add3A_209, %get3A_214 : vector<16xf32>
        %scan3A_216 = arith.constant 3 : i32
        %scan3A_217 = arith.addi %scan3A_198, %scan3A_216 : i32
        %get3A_218 = arith.index_cast %scan3A_217 : i32 to index
        %get3A_219 = arith.constant 0 : index
        %get3A_220 = tpu.vector_load %arg9[%get3A_218, %get3A_219] {strides = array<i32>} : memref<128x128xf32, #tpu.memory_space<vmem>>, vector<16xf32>,
        %add3A_221 = arith.addf %add3A_215, %get3A_220 : vector<16xf32>
        %scan3A_222 = arith.constant 4 : i32
        %scan3A_223 = arith.addi %scan3A_198, %scan3A_222 : i32
        %get3A_224 = arith.index_cast %scan3A_223 : i32 to index
        %get3A_225 = arith.constant 0 : index
        %get3A_226 = tpu.vector_load %arg9[%get3A_224, %get3A_225] {strides = array<i32>} : memref<128x128xf32, #tpu.memory_space<vmem>>, vector<16xf32>,
        %add3A_227 = arith.addf %add3A_221, %get3A_226 : vector<16xf32>
        %scan3A_228 = arith.constant 5 : i32
        %scan3A_229 = arith.addi %scan3A_198, %scan3A_228 : i32
        %get3A_230 = arith.index_cast %scan3A_229 : i32 to index
        %get3A_231 = arith.constant 0 : index
        %get3A_232 = tpu.vector_load %arg9[%get3A_230, %get3A_231] {strides = array<i32>} : memref<128x128xf32, #tpu.memory_space<vmem>>, vector<16xf32>,
        %add3A_233 = arith.addf %add3A_227, %get3A_232 : vector<16xf32>
        %scan3A_234 = arith.constant 6 : i32
        %scan3A_235 = arith.addi %scan3A_198, %scan3A_234 : i32
        %get3A_236 = arith.index_cast %scan3A_235 : i32 to index
        %get3A_237 = arith.constant 0 : index
        %get3A_238 = tpu.vector_load %arg9[%get3A_236, %get3A_237] {strides = array<i32>} : memref<128x128xf32, #tpu.memory_space<vmem>>, vector<16xf32>,
        %add3A_239 = arith.addf %add3A_233, %get3A_238 : vector<16xf32>
        %scan3A_240 = arith.constant 7 : i32
        %scan3A_241 = arith.addi %scan3A_198, %scan3A_240 : i32
        %get3A_242 = arith.index_cast %scan3A_241 : i32 to index
        %get3A_243 = arith.constant 0 : index
        %get3A_244 = tpu.vector_load %arg9[%get3A_242, %get3A_243] {strides = array<i32>} : memref<128x128xf32, #tpu.memory_space<vmem>>, vector<16xf32>,
        %add3A_245 = arith.addf %add3A_239, %get3A_244 : vector<16xf32>
        scf.yield %add3A_245 : vector<16xf32>
      }
      %scan3A_159 = arith.constant 128 : i32
      %add3A_160 = arith.constant 1 : i32
      %add3A_161 = arith.addi %add3A_77, %add3A_160 : i32
      %min3A_162 = arith.constant 31 : i32
      %min3A_163 = arith.minsi %add3A_161, %min3A_162 : i32
      %mul3A_164 = arith.constant 4 : i32
      %mul3A_165 = arith.muli %min3A_163, %mul3A_164 : i32
      %add3A_166 = arith.constant 1 : i32
      %add3A_167 = arith.addi %mul3A_165, %add3A_166 : i32
      %dma_start3A_168 = arith.constant 0 : i32
      %dma_start3A_169 = tpu.memref_slice %arg6[%add3A_167, %dma_start3A_168] : memref<128x128xi32, #tpu.memory_space<vmem>> -> memref<1x128xi32, #tpu.memory_space<vmem>>
      %dma_start3A_170 = tpu.memref_squeeze %dma_start3A_169 : memref<1x128xi32, #tpu.memory_space<vmem>> -> memref<128xi32, #tpu.memory_space<vmem>>
      %dma_start3A_171 = arith.constant 0 : i32
      %dma_start3A_172 = arith.constant 0 : i32
      %dma_start3A_173 = tpu.memref_slice %arg3[%dma_start3A_171, %dma_start3A_172] : memref<1000000x128xf32, #tpu.memory_space<hbm>> -> memref<1000000x128xf32, #tpu.memory_space<hbm>>
      tpu.enqueue_indirect_dma source(%dma_start3A_173 : memref<1000000x128xf32, #tpu.memory_space<hbm>>) target(%arg8 : memref<128x128xf32, #tpu.memory_space<vmem>>) offsets(%dma_start3A_170 : memref<128xi32, #tpu.memory_space<vmem>>) semaphore(%arg14 : memref<!tpu.dma_semaphore, #tpu.memory_space<semaphore_mem>>)
      %dma_wait3A_174 = arith.constant 0 : i32
      %dma_wait3A_175 = arith.constant 0 : i32
      %dma_wait3A_176 = tpu.memref_slice %arg6[%dma_wait3A_174, %dma_wait3A_175] : memref<128x128xi32, #tpu.memory_space<vmem>> -> memref<1x128xi32, #tpu.memory_space<vmem>>
      %dma_wait3A_177 = tpu.memref_squeeze %dma_wait3A_176 : memref<1x128xi32, #tpu.memory_space<vmem>> -> memref<128xi32, #tpu.memory_space<vmem>>
      %dma_wait3A_178 = arith.constant 0 : i32
      %dma_wait3A_179 = arith.constant 0 : i32
      %dma_wait3A_180 = tpu.memref_slice %arg3[%dma_wait3A_178, %dma_wait3A_179] : memref<1000000x128xf32, #tpu.memory_space<hbm>> -> memref<1000000x128xf32, #tpu.memory_space<hbm>>
      tpu.wait_indirect_dma semaphore(%arg16 : memref<!tpu.dma_semaphore, #tpu.memory_space<semaphore_mem>>) src(%dma_wait3A_180 : memref<1000000x128xf32, #tpu.memory_space<hbm>>) dst(%arg10 : memref<128x128xf32, #tpu.memory_space<vmem>>)
      %scan3A_181 = arith.constant 0 : i32
      %scan3A_182 = arith.constant 128 : i32
      %scan3A_183 = arith.addi %scan3A_181, %scan3A_182 : i32
      %scan3A_184 = arith.constant 8 : i32
      %scan3A_185 = scf.for %scan3A_198 = %scan3A_181 to %scan3A_183 step %scan3A_184 iter_args(%scan3A_199 = %scan3A_158) -> (vector<16xf32>)  : i32 {
        %get3A_200 = arith.index_cast %scan3A_198 : i32 to index
        %get3A_201 = arith.constant 0 : index
        %get3A_202 = tpu.vector_load %arg10[%get3A_200, %get3A_201] {strides = array<i32>} : memref<128x128xf32, #tpu.memory_space<vmem>>, vector<16xf32>,
        %add3A_203 = arith.addf %scan3A_199, %get3A_202 : vector<16xf32>
        %scan3A_204 = arith.constant 1 : i32
        %scan3A_205 = arith.addi %scan3A_198, %scan3A_204 : i32
        %get3A_206 = arith.index_cast %scan3A_205 : i32 to index
        %get3A_207 = arith.constant 0 : index
        %get3A_208 = tpu.vector_load %arg10[%get3A_206, %get3A_207] {strides = array<i32>} : memref<128x128xf32, #tpu.memory_space<vmem>>, vector<16xf32>,
        %add3A_209 = arith.addf %add3A_203, %get3A_208 : vector<16xf32>
        %scan3A_210 = arith.constant 2 : i32
        %scan3A_211 = arith.addi %scan3A_198, %scan3A_210 : i32
        %get3A_212 = arith.index_cast %scan3A_211 : i32 to index
        %get3A_213 = arith.constant 0 : index
        %get3A_214 = tpu.vector_load %arg10[%get3A_212, %get3A_213] {strides = array<i32>} : memref<128x128xf32, #tpu.memory_space<vmem>>, vector<16xf32>,
        %add3A_215 = arith.addf %add3A_209, %get3A_214 : vector<16xf32>
        %scan3A_216 = arith.constant 3 : i32
        %scan3A_217 = arith.addi %scan3A_198, %scan3A_216 : i32
        %get3A_218 = arith.index_cast %scan3A_217 : i32 to index
        %get3A_219 = arith.constant 0 : index
        %get3A_220 = tpu.vector_load %arg10[%get3A_218, %get3A_219] {strides = array<i32>} : memref<128x128xf32, #tpu.memory_space<vmem>>, vector<16xf32>,
        %add3A_221 = arith.addf %add3A_215, %get3A_220 : vector<16xf32>
        %scan3A_222 = arith.constant 4 : i32
        %scan3A_223 = arith.addi %scan3A_198, %scan3A_222 : i32
        %get3A_224 = arith.index_cast %scan3A_223 : i32 to index
        %get3A_225 = arith.constant 0 : index
        %get3A_226 = tpu.vector_load %arg10[%get3A_224, %get3A_225] {strides = array<i32>} : memref<128x128xf32, #tpu.memory_space<vmem>>, vector<16xf32>,
        %add3A_227 = arith.addf %add3A_221, %get3A_226 : vector<16xf32>
        %scan3A_228 = arith.constant 5 : i32
        %scan3A_229 = arith.addi %scan3A_198, %scan3A_228 : i32
        %get3A_230 = arith.index_cast %scan3A_229 : i32 to index
        %get3A_231 = arith.constant 0 : index
        %get3A_232 = tpu.vector_load %arg10[%get3A_230, %get3A_231] {strides = array<i32>} : memref<128x128xf32, #tpu.memory_space<vmem>>, vector<16xf32>,
        %add3A_233 = arith.addf %add3A_227, %get3A_232 : vector<16xf32>
        %scan3A_234 = arith.constant 6 : i32
        %scan3A_235 = arith.addi %scan3A_198, %scan3A_234 : i32
        %get3A_236 = arith.index_cast %scan3A_235 : i32 to index
        %get3A_237 = arith.constant 0 : index
        %get3A_238 = tpu.vector_load %arg10[%get3A_236, %get3A_237] {strides = array<i32>} : memref<128x128xf32, #tpu.memory_space<vmem>>, vector<16xf32>,
        %add3A_239 = arith.addf %add3A_233, %get3A_238 : vector<16xf32>
        %scan3A_240 = arith.constant 7 : i32
        %scan3A_241 = arith.addi %scan3A_198, %scan3A_240 : i32
        %get3A_242 = arith.index_cast %scan3A_241 : i32 to index
        %get3A_243 = arith.constant 0 : index
        %get3A_244 = tpu.vector_load %arg10[%get3A_242, %get3A_243] {strides = array<i32>} : memref<128x128xf32, #tpu.memory_space<vmem>>, vector<16xf32>,
        %add3A_245 = arith.addf %add3A_239, %get3A_244 : vector<16xf32>
        scf.yield %add3A_245 : vector<16xf32>
      }
      %scan3A_186 = arith.constant 128 : i32
      %mul3A_187 = arith.constant 0.001953125 : f32
      %mul3A_188 = vector.broadcast %mul3A_187 : f32 to vector<16xf32>
      %mul3A_189 = arith.mulf %scan3A_185, %mul3A_188 : vector<16xf32>
      %max3A = arith.constant 0.000000e+00 : f32
      %max3A_190 = vector.broadcast %max3A : f32 to vector<16xf32>
      %max3A_191 = arith.maximumf %mul3A_189, %max3A_190 : vector<16xf32>
      %mul3A_192 = arith.mulf %max3A_191, %get3A_20 : vector<16xf32>
      %reduce_sum3A = arith.constant true
      %reduce_sum3A_193 = vector.broadcast %reduce_sum3A : i1 to vector<16xi1>
      %reduce_sum3A_194 = tpu.scan <sum>, %mul3A_192 masked %reduce_sum3A_193 : vector<16xf32>, vector<16xi1> -> vector<16xf32>
      %reduce_sum3A_195 = vector.extract %reduce_sum3A_194[15] : f32 from vector<16xf32>
      %eq3A = vector.broadcast %scan3A_74 : i32 to vector<16xi32>
      %eq3A_196 = arith.cmpi eq, %iota3A, %eq3A : vector<16xi32>
      %broadcast_in_dim3A_197 = vector.broadcast %reduce_sum3A_195 : f32 to vector<16xf32>
      %select_n3A = arith.select %eq3A_196, %broadcast_in_dim3A_197, %scan3A_75 : vector<16xi1>, vector<16xf32>
      scf.yield %select_n3A : vector<16xf32>
    }
    %scan3A_47 = arith.constant 16 : i32
    %add3A_48 = arith.addf %scan3A_46, %get3A_24 : vector<16xf32>
    %neg3A_49 = arith.constant 0.000000e+00 : f32
    %neg3A_50 = vector.broadcast %neg3A_49 : f32 to vector<16xf32>
    %neg3A_51 = arith.subf %neg3A_50, %add3A_48 : vector<16xf32>
    %exp3A_52 = math.exp %neg3A_51 : vector<16xf32>
    %add3A_53 = arith.constant 1.000000e+00 : f32
    %add3A_54 = vector.broadcast %add3A_53 : f32 to vector<16xf32>
    %add3A_55 = arith.addf %add3A_54, %exp3A_52 : vector<16xf32>
    %div3A_56 = arith.constant 1.000000e+00 : f32
    %div3A_57 = vector.broadcast %div3A_56 : f32 to vector<16xf32>
    %div3A_58 = arith.divf %div3A_57, %add3A_55 : vector<16xf32>
    %swap3A_59 = arith.constant 16 : index
    %swap3A_60 = tpu.vector_load %arg11[%swap3A_59] {strides = array<i32>} : memref<32xf32, #tpu.memory_space<vmem>>, vector<16xf32>,
    tpu.vector_store %arg11[%swap3A_59], %div3A_58 {strides = array<i32>} : memref<32xf32, #tpu.memory_space<vmem>>, vector<16xf32>,
    %dma_wait3A = arith.constant 0 : i32
    %dma_wait3A_61 = arith.constant 0 : i32
    %dma_wait3A_62 = tpu.memref_slice %arg6[%dma_wait3A, %dma_wait3A_61] : memref<128x128xi32, #tpu.memory_space<vmem>> -> memref<1x128xi32, #tpu.memory_space<vmem>>
    %dma_wait3A_63 = tpu.memref_squeeze %dma_wait3A_62 : memref<1x128xi32, #tpu.memory_space<vmem>> -> memref<128xi32, #tpu.memory_space<vmem>>
    %dma_wait3A_64 = arith.constant 0 : i32
    %dma_wait3A_65 = arith.constant 0 : i32
    %dma_wait3A_66 = tpu.memref_slice %arg3[%dma_wait3A_64, %dma_wait3A_65] : memref<1000000x128xf32, #tpu.memory_space<hbm>> -> memref<1000000x128xf32, #tpu.memory_space<hbm>>
    tpu.wait_indirect_dma semaphore(%arg13 : memref<!tpu.dma_semaphore, #tpu.memory_space<semaphore_mem>>) src(%dma_wait3A_66 : memref<1000000x128xf32, #tpu.memory_space<hbm>>) dst(%arg7 : memref<128x128xf32, #tpu.memory_space<vmem>>)
    %dma_wait3A_67 = arith.constant 0 : i32
    %dma_wait3A_68 = arith.constant 0 : i32
    %dma_wait3A_69 = tpu.memref_slice %arg6[%dma_wait3A_67, %dma_wait3A_68] : memref<128x128xi32, #tpu.memory_space<vmem>> -> memref<1x128xi32, #tpu.memory_space<vmem>>
    %dma_wait3A_70 = tpu.memref_squeeze %dma_wait3A_69 : memref<1x128xi32, #tpu.memory_space<vmem>> -> memref<128xi32, #tpu.memory_space<vmem>>
    %dma_wait3A_71 = arith.constant 0 : i32
    %dma_wait3A_72 = arith.constant 0 : i32
    %dma_wait3A_73 = tpu.memref_slice %arg3[%dma_wait3A_71, %dma_wait3A_72] : memref<1000000x128xf32, #tpu.memory_space<hbm>> -> memref<1000000x128xf32, #tpu.memory_space<hbm>>
    tpu.wait_indirect_dma semaphore(%arg14 : memref<!tpu.dma_semaphore, #tpu.memory_space<semaphore_mem>>) src(%dma_wait3A_73 : memref<1000000x128xf32, #tpu.memory_space<hbm>>) dst(%arg8 : memref<128x128xf32, #tpu.memory_space<vmem>>)
    "tpu.region"() ({
      %run_scoped3A = tpu.sem_alloc : memref<!tpu.dma_semaphore, #tpu.memory_space<semaphore_mem>>
      %dma_start3A_74 = tpu.memref_slice %arg5[%mul3A_2] : memref<1024xf32, #tpu.memory_space<hbm>> -> memref<32xf32, #tpu.memory_space<hbm>>
      %dma_start3A_75 = tpu.memref_slice %arg5[%mul3A_2] : memref<1024xf32, #tpu.memory_space<hbm>> -> memref<32xf32, #tpu.memory_space<hbm>>
      tpu.enqueue_dma source(%arg11 : memref<32xf32, #tpu.memory_space<vmem>>) target(%dma_start3A_75 : memref<32xf32, #tpu.memory_space<hbm>>) target_semaphore(%run_scoped3A : memref<!tpu.dma_semaphore, #tpu.memory_space<semaphore_mem>>)
      %dma_wait3A_76 = tpu.memref_slice %arg5[%mul3A_2] : memref<1024xf32, #tpu.memory_space<hbm>> -> memref<32xf32, #tpu.memory_space<hbm>>
      %dma_wait3A_77 = tpu.memref_slice %arg5[%mul3A_2] : memref<1024xf32, #tpu.memory_space<hbm>> -> memref<32xf32, #tpu.memory_space<hbm>>
      tpu.wait_dma2 semaphore(%run_scoped3A : memref<!tpu.dma_semaphore, #tpu.memory_space<semaphore_mem>>) src(%arg11 : memref<32xf32, #tpu.memory_space<vmem>>) dst(%dma_wait3A_77 : memref<32xf32, #tpu.memory_space<hbm>>)
      tpu.yield
    }) : () -> ()
    return
  }
}

module attributes {stable_mosaic.version = 14 : i64} {
  func.func @_proj_body(%arg0: i32, %arg1: memref<300x8192xf32, #tpu.memory_space<vmem>>, %arg2: memref<300x128xf32, #tpu.memory_space<vmem>>, %arg3: memref<1x128xf32, #tpu.memory_space<vmem>>, %arg4: memref<8192x128xf32, #tpu.memory_space<vmem>>) attributes {dimension_semantics = [#tpu.dimension_semantics<arbitrary>], iteration_bounds = array<i64: 123>, scalar_prefetch = 0 : i64, scratch_operands = 0 : i64, tpu.core_type = #tpu.core_type<tc>, window_params = [{transform_indices = @transform_0, window_bounds = array<i64: 300, 8192>}, {pipeline_mode = #tpu.pipeline_mode<synchronous>, transform_indices = @transform_1, window_bounds = array<i64: 300, 128>}, {pipeline_mode = #tpu.pipeline_mode<synchronous>, transform_indices = @transform_2, window_bounds = array<i64: 1, 128>}, {transform_indices = @transform_3, window_bounds = array<i64: 8192, 128>}]} {
    %get3A = arith.constant 0 : index
    %get3A_0 = arith.constant 0 : index
    %get3A_1 = vector.load %arg1[%get3A, %get3A_0] : memref<300x8192xf32, #tpu.memory_space<vmem>>, vector<300x8192xf32>
    %convert_element_type3A = arith.truncf %get3A_1 : vector<300x8192xf32> to vector<300x8192xbf16>
    %get3A_2 = arith.constant 0 : index
    %get3A_3 = arith.constant 0 : index
    %get3A_4 = vector.load %arg2[%get3A_2, %get3A_3] : memref<300x128xf32, #tpu.memory_space<vmem>>, vector<300x128xf32>
    %convert_element_type3A_5 = arith.truncf %get3A_4 : vector<300x128xf32> to vector<300x128xbf16>
    %dot_general3A = arith.constant dense<0.000000e+00> : vector<8192x128xf32>
    %dot_general3A_6 = tpu.matmul %convert_element_type3A, %convert_element_type3A_5, %dot_general3A {dimension_numbers = #tpu.dot_dimension_numbers<[0], [0], [1], [1], [0, 1, 1, 1], [], []>, transpose_lhs_hint = false} : vector<300x8192xbf16>, vector<300x128xbf16>, vector<8192x128xf32> -> vector<8192x128xf32>
    %get3A_7 = arith.constant 0 : index
    %get3A_8 = arith.constant 0 : index
    %get3A_9 = vector.load %arg3[%get3A_7, %get3A_8] : memref<1x128xf32, #tpu.memory_space<vmem>>, vector<1x128xf32>
    %add3A = vector.broadcast %get3A_9 : vector<1x128xf32> to vector<8192x128xf32>
    %add3A_10 = arith.addf %dot_general3A_6, %add3A : vector<8192x128xf32>
    %swap3A = arith.constant 0 : index
    %swap3A_11 = arith.constant 0 : index
    %swap3A_12 = vector.load %arg4[%swap3A, %swap3A_11] : memref<8192x128xf32, #tpu.memory_space<vmem>>, vector<8192x128xf32>
    tpu.vector_store %arg4[%swap3A, %swap3A_11], %add3A_10 {strides = array<i32>} : memref<8192x128xf32, #tpu.memory_space<vmem>>, vector<8192x128xf32>,
    return
  }
  func.func @transform_0(%arg0: i32) -> (i32, i32) {
    %c0_i32 = arith.constant 0 : i32
    %c0_i32_0 = arith.constant 0 : i32
    return %c0_i32, %arg0 : i32, i32
  }
  func.func @transform_1(%arg0: i32) -> (i32, i32) {
    %c0_i32 = arith.constant 0 : i32
    %c0_i32_0 = arith.constant 0 : i32
    %c0_i32_1 = arith.constant 0 : i32
    return %c0_i32, %c0_i32_0 : i32, i32
  }
  func.func @transform_2(%arg0: i32) -> (i32, i32) {
    %c0_i32 = arith.constant 0 : i32
    %c0_i32_0 = arith.constant 0 : i32
    %c0_i32_1 = arith.constant 0 : i32
    return %c0_i32, %c0_i32_0 : i32, i32
  }
  func.func @transform_3(%arg0: i32) -> (i32, i32) {
    %c0_i32 = arith.constant 0 : i32
    %c0_i32_0 = arith.constant 0 : i32
    return %arg0, %c0_i32 : i32, i32
  }
}

</mosaic_0001>

<sc_bundles>
// kernel: kernel.4.cloned.1.call-start
scs
__scs_entry_jumppad:
0x0: {  	(pc) =	sbr.rel $0x88, $3  }
0x1: {  	(tag) =	ssettag $0x0;
	lr =	simm.s32 $0x1  }
0x2: {  	[smem:$0x3F9B] =	sst lr;
	_ =	strace $0xD0000000  }
0x3: {  	_ = 	snop  }
0x4: {  	_ = 	snop  }
0x5: {  	_ = 	snop  }
0x6: {  	_ = 	snop  }
0x7: {  	_ = 	snop  }
__scs_overlays_trampoline_lowered:
0x8: {  	[smem:$0x3FAA] =	sst s0  }
0x9: {  	[smem:$0x3FAB] =	sst s1  }
0xa: {  	[smem:$0x3FAC] =	sst s2  }
0xb: {  	[smem:$0x3FAD] =	sst s3  }
0xc: {  	[smem:$0x3FAE] =	sst s4  }
0xd: {  	[smem:$0x3FAF] =	sst s5  }
0xe: {  	[smem:$0x3FB0] =	sst s6  }
0xf: {  	[smem:$0x3FB1] =	sst s7  }
0x10: {  	[smem:$0x3FB2] =	sst s8  }
0x11: {  	[smem:$0x3FB3] =	sst s9;
	s0 =	simm.s32 @!p0 $0x0  }
0x12: {  	s1 =	sld [smem:$0x3F99];
	s0 =	simm.s32 @p0 $0x1  }
0x13: {  	[smem:$0x3FB4] =	sst s0;
	s0 =	simm.s32 @!p1 $0x0  }
0x14: {  	s2 =	sld [smem:$0x3F98];
	s0 =	simm.s32 @p1 $0x1  }
0x15: {  	[smem:$0x3FB5] =	sst s0;
	s0 =	simm.s32 @!p2 $0x0  }
0x16: {  	s3 =	sld [smem:$0x3FDB];
	s0 =	simm.s32 @p2 $0x1  }
0x17: {  	s4 =	simm.s32 $0x1BF5;
	[smem:$0x3FB7] =	sst s0  }
0x18: {  	s0 =	sld [smem:$0x3F9A];
	_ =	swait.ge [sflag:s4], $0x0  }
0x19: {  	s7 =	sld [smem:$0x3F9B]  }
0x1a: {  	s8 =	sadd.s32 $0xFFFFE003, lr  }
0x1b: {  	s9 =	sadd.s32 $0xFFFFFEF7, lr;
	s5 =	simm.s32 $0xFFFFFFFF;
	p2 =	slt.u32 s8, $0xFFFFF086  }
0x1c: {  	p1 =	slt.u32 s9, $0xF7A;
	s5 =	simm.s32 @!p2 $0x0  }
0x1d: {  	s5 =	simm.s32 @p1 $0x1;
	p0 =	seq.s32 s7, s2  }
0x1e: {  	s7 =	smul.u32 @!p0 $0xF7A, s2;
	p2 =	seq.s32 @!p0 s5, $0x0  }
0x1f: {  	s9 =	smul.u32 $0xF7A, s1;
	s8 =	simm.s32 @!p0 $0x1BF5;
	p2 =	por !p2, p0  }
0x20: {  	[sflag:s8] =	ssyncset.s32 @!p0 $0xFFFFF086;
	s6 =	sadd.s32 @!p0 s3, s7;
	s7 =	simm.s32 @!p0 $0x108  }
0x21: {  	s3 =	sadd.s32 s3, s9;
	s6 =	sadd.s32 @!p0 $0x88, s6;
	s7 =	simm.s32 @p2 $0x1082  }
0x22: {  	[simem:s7], [sflag:s8] =	dma.local @!p0 [hbm:s6], $0xF7A  }
0x23: {  	s9 =	sor.u32 $0xD0000000, s2;
	s6 =	simm.s32 $0x108;
	_ =	swait.ge @!p0 [sflag:s8], $0x0  }
0x24: {  	s3 =	sadd.s32 $0x88, s3;
	s6 =	simm.s32 @!p1 $0x1082;
	[sflag:s4] =	ssyncset.s32 $0xFFFFF086  }
0x25: {  	[simem:s6], [sflag:s4] =	dma.local [hbm:s3], $0xF7A  }
0x26: {  	[smem:$0x3F9B] =	sst s1;
	(tag) =	ssettag s2;
	_ =	strace s9  }
0x27: {  	s1 =	sld [smem:$0x3FAB]  }
0x28: {  	s2 =	sld [smem:$0x3FAC]  }
0x29: {  	s4 =	sld [smem:$0x3FAE]  }
0x2a: {  	p0 =	seq.s32 s5, $0x0;
	s5 =	sld [smem:$0x3FAF]  }
0x2b: {  	s6 =	sld [smem:$0x3FB0]  }
0x2c: {  	s7 =	sld [smem:$0x3FB1]  }
0x2d: {  	s3 =	simm.s32 $0x108;
	s8 =	sld [smem:$0x3FB2]  }
0x2e: {  	s3 =	simm.s32 @!p0 $0x1082;
	s9 =	sld [smem:$0x3FB3]  }
0x2f: {  	lr =	sadd.s32 s0, s3;
	s0 =	sld [smem:$0x3FAA]  }
0x30: {  	s3 =	sld [smem:$0x3FAD]  }
0x31: {  	[smem:$0x3FB6] =	sst s10  }
0x32: {  	s10 =	sld [smem:$0x3FB4];
	_ =	sdelay $0x3  }
0x33: {  	p0 =	seq.s32 s10, $0x1;
	s10 =	sld [smem:$0x3FB6];
	_ =	sdelay $0x3  }
0x34: {  	[smem:$0x3FB6] =	sst s10  }
0x35: {  	s10 =	sld [smem:$0x3FB5];
	_ =	sdelay $0x3  }
0x36: {  	p1 =	seq.s32 s10, $0x1;
	s10 =	sld [smem:$0x3FB6];
	_ =	sdelay $0x3  }
0x37: {  	[smem:$0x3FB6] =	sst s10  }
0x38: {  	s10 =	sld [smem:$0x3FB7]  }
0x39: {  	_ = 	snop;
	(pc) =	sbr.ind lr, $3  }
0x3a: {  	_ = 	snop  }
0x3b: {  	_ = 	snop  }
0x3c: {  	p2 =	seq.s32 s10, $0x1;
	s10 =	sld [smem:$0x3FB6]  }
0x3d: {  	_ =	shalt  }
0x3e: {  	_ =	shalt  }
0x3f: {  	_ =	shalt  }
0x40: {  	_ =	shalt  }
0x41: {  	_ =	shalt  }
0x42: {  	_ =	shalt  }
0x43: {  	_ =	shalt  }
0x44: {  	_ =	shalt  }
0x45: {  	_ =	shalt  }
0x46: {  	_ =	shalt  }
0x47: {  	_ =	shalt  }
0x48: {  	_ =	shalt  }
0x49: {  	_ =	shalt  }
0x4a: {  	_ =	shalt  }
0x4b: {  	_ =	shalt  }
0x4c: {  	_ =	shalt  }
0x4d: {  	_ =	shalt  }
0x4e: {  	_ =	shalt  }
0x4f: {  	_ =	shalt  }
0x50: {  	_ =	shalt  }
0x51: {  	_ =	shalt  }
0x52: {  	_ =	shalt  }
0x53: {  	_ =	shalt  }
0x54: {  	_ =	shalt  }
0x55: {  	_ =	shalt  }
0x56: {  	_ =	shalt  }
0x57: {  	_ =	shalt  }
0x58: {  	_ =	shalt  }
0x59: {  	_ =	shalt  }
0x5a: {  	_ =	shalt  }
0x5b: {  	_ =	shalt  }
0x5c: {  	_ =	shalt  }
0x5d: {  	_ =	shalt  }
0x5e: {  	_ =	shalt  }
0x5f: {  	_ =	shalt  }
0x60: {  	_ =	shalt  }
0x61: {  	_ =	shalt  }
0x62: {  	_ =	shalt  }
0x63: {  	_ =	shalt  }
0x64: {  	_ =	shalt  }
0x65: {  	_ =	shalt  }
0x66: {  	_ =	shalt  }
0x67: {  	_ =	shalt  }
0x68: {  	_ =	shalt  }
0x69: {  	_ =	shalt  }
0x6a: {  	_ =	shalt  }
0x6b: {  	_ =	shalt  }
0x6c: {  	_ =	shalt  }
0x6d: {  	_ =	shalt  }
0x6e: {  	_ =	shalt  }
0x6f: {  	_ =	shalt  }
0x70: {  	_ =	shalt  }
0x71: {  	_ =	shalt  }
0x72: {  	_ =	shalt  }
0x73: {  	_ =	shalt  }
0x74: {  	_ =	shalt  }
0x75: {  	_ =	shalt  }
0x76: {  	_ =	shalt  }
0x77: {  	_ =	shalt  }
0x78: {  	_ =	shalt  }
0x79: {  	_ =	shalt  }
0x7a: {  	_ =	shalt  }
0x7b: {  	_ =	shalt  }
0x7c: {  	_ =	shalt  }
0x7d: {  	_ =	shalt  }
0x7e: {  	_ =	shalt  }
0x7f: {  	_ =	shalt  }
0x80: {  	_ =	shalt  }
0x81: {  	_ =	shalt  }
0x82: {  	_ =	shalt  }
0x83: {  	_ =	shalt  }
0x84: {  	_ =	shalt  }
0x85: {  	_ =	shalt  }
0x86: {  	_ =	shalt  }
0x87: {  	_ =	shalt  }
.Lfunc_end0:
.L_simem_size_0:
called_computation_lowered:
.L_overlay_start_0:
0x88: {  	s2 =	sld [smem:$0x3FD9]  }
0x89: {  	s3 =	sld [smem:$0x3FFE];
	_ =	sdelay $0x1  }
0x8a: {  	s1 =	srdreg.scid  }
0x8b: {  	s0 =	sand.u32 $0x1, s1  }
0x8c: {  	s17 =	sshll.u32 s0, $0xA;
	s2 =	sadd.s32 s3, s2  }
0x8d: {  	s2 =	sadd.s32 s2, s17  }
0x8e: {  	[smem:$0x3FC2] =	sst s2  }
0x8f: {  	_ = 	snop  }
0x90: {  	s2 =	sld [smem:$0x3FD0];
	(tm) =	ssettm $0x1  }
0x91: {  	s18 =	sld [smem:$0x3FFB];
	_ =	sdelay $0x3  }
0x92: {  	_ =	strace s18  }
0x93: {  	s3 =	sld [smem:$0x3FFC];
	_ =	sdelay $0x3  }
0x94: {  	_ =	strace s3  }
0x95: {  	s3 =	sld [smem:$0x3FFD];
	_ =	sdelay $0x3  }
0x96: {  	_ =	strace s3  }
0x97: {  	_ =	strace $0x8FFFFFFF  }
0x98: {  	s19 =	sld [smem:$0x3FDB];
	_ =	sdelay $0x1  }
0x99: {  	s4 =	simm.s32 $_scs_section_size  }
0x9a: {  	s5 =	simm.s32 $_size__tile_overlayer_lowered;
	s6 =	simm.s32 $_tile_overlayer_lowered  }
0x9b: {  	s22 =	simm.s32 $0x1BFF;
	s21 =	sshll.u32 s6, $0x1;
	s3 =	sadd.s32 s4, s19  }
0x9c: {  	s7 =	simm.s32 $0x0;
	s20 =	sshll.u32 s5, $0x1;
	s5 =	sadd.s32 s21, s3  }
0x9d: {  	[timem:s7], [sflag:s22] =	dma.local [hbm:s5], s20  }
0x9e: {  	_ =	swait.ge [sflag:s22], s20  }
0x9f: {  	s4 =	ssub.s32 $0x0, s20;
	[sflag:s22] =	ssyncset.done $0x0  }
0xa0: {  	[sflag:s22] =	ssyncadd.s32 s4;
	_ =	sdelay $0x1  }
0xa1: {  	s23 =	simm.s32 $0x1B8B  }
0xa2: {  	_ =	swait.ge [sflag:s23], $0x1  }
0xa3: {  	[sflag:s23] =	ssyncset.done $0x0  }
0xa4: {  	s25 =	simm.s32 $0x1B8E;
	s24 =	sld [smem:$0x3FFE];
	[sflag:s23] =	ssyncadd.s32 $0xFFFFFFFF  }
0xa5: {  	s26 =	simm.s32 $execute0_lowered;
	[smem:$0x3FD2] =	sst s25  }
0xa6: {  	s5 =	sshll.u32 s26, $0x1;
	_ =	strace $0x80000046;
	[dreg:$0x1] =	wrdreg $0xFFFFFFFF  }
0xa7: {  	s28 =	simm.s32 $_size_execute0_lowered;
	s3 =	sadd.s32 s3, s5;
	[dreg:$0x0] =	wrdreg $0x0  }
0xa8: {  	s5 =	sshll.u32 s28, $0x1;
	[dreg:$0x2] =	wrdreg s3  }
0xa9: {  	[dreg:$0x3] =	wrdreg s5  }
0xaa: {  	[dreg:$0x4] =	wrdreg $0xC0  }
0xab: {  	_ =	task [dreg:s7], $0x5FFFF  }
0xac: {  	[dreg:$0x1] =	wrdreg $0xFFFFFFFF  }
0xad: {  	[dreg:$0x0] =	wrdreg $0x60  }
0xae: {  	[dreg:$0x2] =	wrdreg s24  }
0xaf: {  	[dreg:$0x3] =	wrdreg s2  }
0xb0: {  	[dreg:$0x4] =	wrdreg $0x9  }
0xb1: {  	_ =	task.clear_ibuf [dreg:s7], $0x5FFFF;
	_ =	strace $0x90000046  }
0xb2: {  	s29 =	simm.s32 $0x9;
	_ =	strace $0x80000048  }
0xb3: {  	_ =	swait.ge [sflag:s29], $0x1  }
0xb4: {  	[sflag:s29] =	ssyncadd.s32 $0xFFFFFFFF  }
0xb5: {  	_ =	strace $0x90000048  }
0xb6: {  	_ =	sfence  }
0xb7: {  	s30 =	sld [smem:$0x0];
	_ =	sdelay $0x2  }
0xb8: {  	s31 =	sshll.u32 s1, $0xD;
	s1 =	sshrl.u32 s1, $0x2  }
0xb9: {  	s3 =	sand.u32 $0x4000, s31;
	s1 =	sadd.s32 s1, s30  }
0xba: {  	s0 =	sor.u32 s3, s0;
	s1 =	sshll.u32 s1, $0x11  }
0xbb: {  	s0 =	sor.u32 s1, s0  }
0xbc: {  	s0 =	sadd.s32 $0x8F2B, s0  }
0xbd: {  	[sflag:s0] =	ssyncadd.remote.s32 $0x1  }
0xbe: {  	_ =	sfence.sel $0xFFFF  }
0xbf: {  	[dreg:$0x0] =	wrdreg $0xFFFFFFFF;
	(pc) =	sbr.abs _section_cstart, $3  }
0xc0: {  	[dreg:$0x1] =	wrdreg $0xFFFFFFFF  }
0xc1: {  	_ =	task.clear_ibuf [dreg:s7], $0x2FFFF;
	_ =	strace $0x9FFFFFFF  }
0xc2: {  	(tm) =	ssettm $0x7FFFFFFF  }
0xc3: {  	_ =	shalt  }
tec
execute0_lowered:
.L_overlay_start_1:
0x0: {  	(tag) =	ssettag $0x1  }
0x1: {  	s4 =	rddreg [dreg:$0x0];
	s1 =	srdreg.scid  }
0x2: {  	s0 =	stileid.u32;
	s6 =	rddreg [dreg:$0x1];
	s2 =	simm.s32 $0x0  }
0x3: {  	s10 =	simm.s32 $0x80;
	s11 =	simm.s32 $0x4000;
	s12 =	simm.s32 $0x8000  }
0x4: {  	s13 =	simm.s32 $0xC000;
	s14 =	simm.s32 $0x1;
	s15 =	simm.s32 $0x10000  }
0x5: {  	s16 =	simm.s32 $0x2;
	s17 =	simm.s32 $0x3;
	s18 =	simm.s32 $0x4  }
0x6: {  	s19 =	simm.s32 $0x14000;
	s3 =	sand.u32 $0x1, s1;
	s1 =	rddreg [dreg:$0x2]  }
0x7: {  	s20 =	simm.s32 $0x0;
	s5 =	sshll.u32 s0, $0x1;
	[smem:$0x7FF] =	sst s2  }
0x8: {  	s7 =	sor.u32 s3, s5;
	_ =	strace $0x80000047;
	s8 =	ssub.s32 $0x2, s3  }
0x9: {  	s3 =	sadd.s32 $0x10600, s4;
	s5 =	sshll.u32 s7, $0xB;
	s9 =	sshrl.u32 s8, $0x1  }
0xa: {  	s7 =	sshll.u32 s7, $0x2;
	s5 =	sadd.s32 s5, s4;
	s4 =	sadd.s32 $0x10400, s4  }
0xb: {  	s8 =	ssub.s32 s8, s9;
	s6 =	sadd.s32 s6, s7;
	s9 =	simm.s32 $0x14080  }
0xc: {  	v0 =	vlaneseq.u32;
	s5 =	sadd.s32 $0x400, s5;
	s7 =	smax.u32 s8, $0x1;
	s8 =	simm.s32 $0x5  }
.LBB2_1:
0xd: {  	[tilespmem:s2], [sflag:$0x5] =	stream.linear.gather [hbm4b:s5+s2], $0x4000, $0x38;
	[tilespmem:$0x14180] =	vst v63  }
0xe: {  	_ =	swait.ge [sflag:s8], $0x4000  }
0xf: {  	[sflag:s8] =	ssyncset.done $0x0  }
0x10: {  	[sflag:s8] =	ssyncadd.s32 $0xFFFFC000  }
0x11: {  	[tilespmem:s9], [sflag:$0x5] =	stream.linear.gather [hbm4b:s4+s2], $0x100, $0x38;
	[tilespmem:$0x14180] =	vst v63  }
0x12: {  	_ =	swait.ge [sflag:s8], $0x100  }
0x13: {  	[sflag:s8] =	ssyncset.done $0x0  }
0x14: {  	[sflag:s8] =	ssyncadd.s32 $0xFFFFFF00  }
0x15: {  	[tilespmem:s11], [sflag:$0x1] =	stream.indirect.gather [hbm4b:s3+s10], $0x80, s2, s10, $0xb8;
	[tilespmem:$0x14180] =	vst v63  }
0x16: {  	_ = 	snop  }
0x17: {  	[tilespmem:s12], [sflag:$0x2] =	stream.indirect.gather [hbm4b:s3+s10], $0x80, s10, s10, $0xb8;
	[tilespmem:$0x14180] =	vst v63  }
0x18: {  	v1 =	vld [tilespmem:$0x14080]  }
0x19: {  	v3 =	vimm.f32 $0.0e+00;
	v4 =	vimm.f32 $0.0e+00;
	s21 =	simm.s32 $0x0;
	v2 =	vld [tilespmem:$0x14100]  }
.LBB2_2:
0x1a: {  	s22 =	sshll.u32 s21, $0x9  }
0x1b: {  	s22 =	sand.u32 $0x3FFFFE00, s22  }
0x1c: {  	s23 =	sor.u32 $0x100, s22  }
0x1d: {  	[tilespmem:s13], [sflag:$0x3] =	stream.indirect.gather [hbm4b:s3+s10], $0x80, s23, s10, $0xb8;
	[tilespmem:$0x14180] =	vst v63  }
0x1e: {  	_ =	swait.ge [sflag:s14], $0x4000  }
0x1f: {  	[sflag:s14] =	ssyncset.done $0x0  }
0x20: {  	s24 =	simm.s32 $0x4200;
	[sflag:s14] =	ssyncadd.s32 $0xFFFFC000  }
0x21: {  	v5 =	vld [tilespmem:s24+$0xFFFFFE00];
	_ =	sdelay $0x1  }
0x22: {  	v6 =	vld [tilespmem:s24+$0xFFFFFE80];
	_ =	sdelay $0x1  }
0x23: {  	v7 =	vld [tilespmem:s24+$0xFFFFFF00]  }
0x24: {  	v5 =	vadd.f32 v5, v3  }
0x25: {  	v8 =	vld [tilespmem:s24+$0xFFFFFF80]  }
0x26: {  	v5 =	vadd.f32 v6, v5  }
0x27: {  	v6 =	vld [tilespmem:s24+$0x0]  }
0x28: {  	v5 =	vadd.f32 v7, v5;
	_ =	sdelay $0x1  }
0x29: {  	v7 =	vld [tilespmem:s24+$0x80];
	v5 =	vadd.f32 v8, v5;
	_ =	sdelay $0x1  }
0x2a: {  	v8 =	vadd.f32 v6, v5;
	v5 =	vld [tilespmem:s24+$0x100];
	_ =	sdelay $0x1  }
0x2b: {  	v6 =	vld [tilespmem:s24+$0x180]  }
0x2c: {  	s23 =	simm.s32 $0x0;
	s24 =	simm.s32 $0x4600;
	v7 =	vadd.f32 v7, v8  }
.LBB2_3:
0x2d: {  	v8 =	vld [tilespmem:s24+$0xFFFFFE00];
	s23 =	sadd.s32 $0x8, s23  }
0x2e: {  	p0 =	slt.u32 s23, $0x78;
	v5 =	vadd.f32 v5, v7  }
0x2f: {  	v7 =	vld [tilespmem:s24+$0xFFFFFE80]  }
0x30: {  	v5 =	vadd.f32 v6, v5  }
0x31: {  	v6 =	vld [tilespmem:s24+$0xFFFFFF00]  }
0x32: {  	v5 =	vadd.f32 v8, v5  }
0x33: {  	v8 =	vld [tilespmem:s24+$0xFFFFFF80]  }
0x34: {  	v5 =	vadd.f32 v7, v5  }
0x35: {  	v7 =	vld [tilespmem:s24+$0x0]  }
0x36: {  	v5 =	vadd.f32 v6, v5  }
0x37: {  	v9 =	vld [tilespmem:s24+$0x80]  }
.Ltmp0:
0x38: {  	v6 =	vadd.f32 v8, v5;
	(pc) =	sbr.rel @p0 .LBB2_3-.Ltmp0, $4  }
0x39: {  	v5 =	vld [tilespmem:s24+$0x100]  }
0x3a: {  	v7 =	vadd.f32 v7, v6  }
0x3b: {  	v6 =	vld [tilespmem:s24+$0x180]  }
0x3c: {  	s24 =	sadd.s32 $0x400, s24;
	v7 =	vadd.f32 v9, v7  }
0x3d: {  	s22 =	sadd.s32 $0x180, s22  }
0x3e: {  	[tilespmem:s15], [sflag:$0x4] =	stream.indirect.gather [hbm4b:s3+s10], $0x80, s22, s10, $0xb8;
	[tilespmem:$0x14180] =	vst v63  }
0x3f: {  	_ =	swait.ge [sflag:s16], $0x4000  }
0x40: {  	[sflag:s16] =	ssyncset.done $0x0  }
0x41: {  	s23 =	simm.s32 $0x8200;
	[sflag:s16] =	ssyncadd.s32 $0xFFFFC000  }
0x42: {  	v8 =	vld [tilespmem:s23+$0xFFFFFE00]  }
0x43: {  	v5 =	vadd.f32 v5, v7  }
0x44: {  	v7 =	vld [tilespmem:s23+$0xFFFFFE80]  }
0x45: {  	v5 =	vadd.f32 v6, v5  }
0x46: {  	v6 =	vld [tilespmem:s23+$0xFFFFFF00]  }
0x47: {  	v5 =	vadd.f32 v8, v5  }
0x48: {  	v8 =	vld [tilespmem:s23+$0xFFFFFF80]  }
0x49: {  	v5 =	vadd.f32 v7, v5  }
0x4a: {  	v7 =	vld [tilespmem:s23+$0x0]  }
0x4b: {  	v5 =	vadd.f32 v6, v5;
	_ =	sdelay $0x1  }
0x4c: {  	v9 =	vld [tilespmem:s23+$0x80];
	v5 =	vadd.f32 v8, v5;
	_ =	sdelay $0x1  }
0x4d: {  	v7 =	vadd.f32 v7, v5;
	v5 =	vld [tilespmem:s23+$0x100];
	_ =	sdelay $0x1  }
0x4e: {  	v6 =	vld [tilespmem:s23+$0x180]  }
0x4f: {  	s22 =	simm.s32 $0x0;
	s23 =	simm.s32 $0x8600;
	v7 =	vadd.f32 v9, v7  }
.LBB2_5:
0x50: {  	v8 =	vld [tilespmem:s23+$0xFFFFFE00];
	s22 =	sadd.s32 $0x8, s22  }
0x51: {  	p0 =	slt.u32 s22, $0x78;
	v5 =	vadd.f32 v5, v7  }
0x52: {  	v7 =	vld [tilespmem:s23+$0xFFFFFE80]  }
0x53: {  	v5 =	vadd.f32 v6, v5  }
0x54: {  	v6 =	vld [tilespmem:s23+$0xFFFFFF00]  }
0x55: {  	v5 =	vadd.f32 v8, v5  }
0x56: {  	v8 =	vld [tilespmem:s23+$0xFFFFFF80]  }
0x57: {  	v5 =	vadd.f32 v7, v5  }
0x58: {  	v7 =	vld [tilespmem:s23+$0x0]  }
0x59: {  	v5 =	vadd.f32 v6, v5  }
0x5a: {  	v9 =	vld [tilespmem:s23+$0x80]  }
.Ltmp1:
0x5b: {  	v6 =	vadd.f32 v8, v5;
	(pc) =	sbr.rel @p0 .LBB2_5-.Ltmp1, $4  }
0x5c: {  	v5 =	vld [tilespmem:s23+$0x100]  }
0x5d: {  	v7 =	vadd.f32 v7, v6  }
0x5e: {  	v6 =	vld [tilespmem:s23+$0x180]  }
0x5f: {  	s23 =	sadd.s32 $0x400, s23;
	v7 =	vadd.f32 v9, v7  }
0x60: {  	s22 =	sadd.s32 $0x1, s21  }
0x61: {  	s23 =	sshll.u32 s22, $0x9  }
0x62: {  	s23 =	sand.u32 $0x3FFFFE00, s23  }
0x63: {  	[tilespmem:s11], [sflag:$0x1] =	stream.indirect.gather [hbm4b:s3+s10], $0x80, s23, s10, $0xb8;
	[tilespmem:$0x14180] =	vst v63  }
0x64: {  	_ =	swait.ge [sflag:s17], $0x4000  }
0x65: {  	[sflag:s17] =	ssyncset.done $0x0  }
0x66: {  	s25 =	simm.s32 $0xC200;
	[sflag:s17] =	ssyncadd.s32 $0xFFFFC000  }
0x67: {  	v8 =	vld [tilespmem:s25+$0xFFFFFE00]  }
0x68: {  	v5 =	vadd.f32 v5, v7  }
0x69: {  	v7 =	vld [tilespmem:s25+$0xFFFFFE80]  }
0x6a: {  	v5 =	vadd.f32 v6, v5  }
0x6b: {  	v6 =	vld [tilespmem:s25+$0xFFFFFF00]  }
0x6c: {  	v5 =	vadd.f32 v8, v5  }
0x6d: {  	v8 =	vld [tilespmem:s25+$0xFFFFFF80]  }
0x6e: {  	v5 =	vadd.f32 v7, v5  }
0x6f: {  	v7 =	vld [tilespmem:s25+$0x0]  }
0x70: {  	v5 =	vadd.f32 v6, v5;
	_ =	sdelay $0x1  }
0x71: {  	v9 =	vld [tilespmem:s25+$0x80];
	v5 =	vadd.f32 v8, v5;
	_ =	sdelay $0x1  }
0x72: {  	v7 =	vadd.f32 v7, v5;
	v5 =	vld [tilespmem:s25+$0x100];
	_ =	sdelay $0x1  }
0x73: {  	v6 =	vld [tilespmem:s25+$0x180]  }
0x74: {  	s24 =	simm.s32 $0x0;
	s25 =	simm.s32 $0xC600;
	v7 =	vadd.f32 v9, v7  }
.LBB2_7:
0x75: {  	v8 =	vld [tilespmem:s25+$0xFFFFFE00];
	s24 =	sadd.s32 $0x8, s24  }
0x76: {  	p0 =	slt.u32 s24, $0x78;
	v5 =	vadd.f32 v5, v7  }
0x77: {  	v7 =	vld [tilespmem:s25+$0xFFFFFE80]  }
0x78: {  	v5 =	vadd.f32 v6, v5  }
0x79: {  	v6 =	vld [tilespmem:s25+$0xFFFFFF00]  }
0x7a: {  	v5 =	vadd.f32 v8, v5  }
0x7b: {  	v8 =	vld [tilespmem:s25+$0xFFFFFF80]  }
0x7c: {  	v5 =	vadd.f32 v7, v5  }
0x7d: {  	v7 =	vld [tilespmem:s25+$0x0]  }
0x7e: {  	v5 =	vadd.f32 v6, v5  }
0x7f: {  	v9 =	vld [tilespmem:s25+$0x80]  }
.Ltmp2:
0x80: {  	v6 =	vadd.f32 v8, v5;
	(pc) =	sbr.rel @p0 .LBB2_7-.Ltmp2, $4  }
0x81: {  	v5 =	vld [tilespmem:s25+$0x100]  }
0x82: {  	v7 =	vadd.f32 v7, v6  }
0x83: {  	v6 =	vld [tilespmem:s25+$0x180]  }
0x84: {  	s25 =	sadd.s32 $0x400, s25;
	v7 =	vadd.f32 v9, v7  }
0x85: {  	s23 =	sadd.s32 $0x80, s23  }
0x86: {  	[tilespmem:s12], [sflag:$0x2] =	stream.indirect.gather [hbm4b:s3+s10], $0x80, s23, s10, $0xb8;
	[tilespmem:$0x14180] =	vst v63  }
0x87: {  	_ =	swait.ge [sflag:s18], $0x4000  }
0x88: {  	[sflag:s18] =	ssyncset.done $0x0  }
0x89: {  	s24 =	simm.s32 $0x10200;
	[sflag:s18] =	ssyncadd.s32 $0xFFFFC000  }
0x8a: {  	v8 =	vld [tilespmem:s24+$0xFFFFFE00]  }
0x8b: {  	v5 =	vadd.f32 v5, v7  }
0x8c: {  	v7 =	vld [tilespmem:s24+$0xFFFFFE80]  }
0x8d: {  	v5 =	vadd.f32 v6, v5  }
0x8e: {  	v6 =	vld [tilespmem:s24+$0xFFFFFF00]  }
0x8f: {  	v5 =	vadd.f32 v8, v5  }
0x90: {  	v8 =	vld [tilespmem:s24+$0xFFFFFF80]  }
0x91: {  	v5 =	vadd.f32 v7, v5  }
0x92: {  	v7 =	vld [tilespmem:s24+$0x0]  }
0x93: {  	v5 =	vadd.f32 v6, v5;
	_ =	sdelay $0x1  }
0x94: {  	v9 =	vld [tilespmem:s24+$0x80];
	v5 =	vadd.f32 v8, v5;
	_ =	sdelay $0x1  }
0x95: {  	v7 =	vadd.f32 v7, v5;
	v5 =	vld [tilespmem:s24+$0x100];
	_ =	sdelay $0x1  }
0x96: {  	v6 =	vld [tilespmem:s24+$0x180]  }
0x97: {  	s23 =	simm.s32 $0x0;
	s24 =	simm.s32 $0x10600;
	v7 =	vadd.f32 v9, v7  }
.LBB2_9:
0x98: {  	v8 =	vld [tilespmem:s24+$0xFFFFFE00];
	s23 =	sadd.s32 $0x8, s23  }
0x99: {  	p0 =	slt.u32 s23, $0x78;
	v5 =	vadd.f32 v5, v7  }
0x9a: {  	v7 =	vld [tilespmem:s24+$0xFFFFFE80]  }
0x9b: {  	v5 =	vadd.f32 v6, v5  }
0x9c: {  	v6 =	vld [tilespmem:s24+$0xFFFFFF00]  }
0x9d: {  	v5 =	vadd.f32 v8, v5  }
0x9e: {  	v8 =	vld [tilespmem:s24+$0xFFFFFF80]  }
0x9f: {  	v5 =	vadd.f32 v7, v5  }
0xa0: {  	v7 =	vld [tilespmem:s24+$0x0]  }
0xa1: {  	v5 =	vadd.f32 v6, v5  }
0xa2: {  	v9 =	vld [tilespmem:s24+$0x80]  }
.Ltmp3:
0xa3: {  	v6 =	vadd.f32 v8, v5;
	(pc) =	sbr.rel @p0 .LBB2_9-.Ltmp3, $4  }
0xa4: {  	v5 =	vld [tilespmem:s24+$0x100]  }
0xa5: {  	v7 =	vadd.f32 v7, v6  }
0xa6: {  	v6 =	vld [tilespmem:s24+$0x180]  }
0xa7: {  	s24 =	sadd.s32 $0x400, s24;
	v7 =	vadd.f32 v9, v7  }
0xa8: {  	_ = 	snop  }
0xa9: {  	v5 =	vadd.f32 v5, v7;
	_ =	sdelay $0x1  }
0xaa: {  	v5 =	vadd.f32 v6, v5;
	_ =	sdelay $0x1  }
0xab: {  	v5 =	vmul.f32 $1.953125000e-03, v5;
	_ =	sdelay $0x1  }
0xac: {  	v5 =	vmax.f32 v5, $0.0e+00  }
0xad: {  	v5 =	vmul.f32 v5, v1;
	_ =	sdelay $0x1  }
0xae: {  	(xrf2) =	vadd.scan.msk.f32 $0xffff, v5;
	_ =	sdelay $0x7  }
0xaf: {  	p0 =	sne.s32 s22, $0x10  }
.Ltmp4:
0xb0: {  	_ = 	snop;
	(pc) =	sbr.rel @p0 .LBB2_2-.Ltmp4, $4  }
0xb1: {  	v5, _, _ =	vpop (xrf2)  }
0xb2: {  	v6 =	vmov s21;
	v5 =	vbroadcast v5, $0xF  }
0xb3: {  	vm0 =	veq.s32 v6, v0  }
0xb4: {  	s21 =	smov.u32 s22;
	v4 =	vsel vm0, v5, v4  }
0xb5: {  	v3 =	vadd.f32 v4, v2;
	_ =	sdelay $0x1  }
0xb6: {  	v3 =	vsub.f32 $0.0e+00, v3;
	_ =	sdelay $0x1  }
0xb7: {  	v3 =	vmul.f32 $1.442695020e+00, v3;
	_ =	sdelay $0x1  }
0xb8: {  	(erf) = vpow2.f32 v3;
	_ =	sdelay $0x8  }
0xb9: {  	v3 =	vpop (erf)  }
0xba: {  	v3 =	vadd.f32 $1.000000000e+00, v3;
	_ =	sdelay $0x1  }
0xbb: {  	(erf) = vrcp.f32 v3;
	_ =	sdelay $0x8  }
0xbc: {  	v4 =	vpop (erf)  }
0xbd: {  	s21 =	simm.s32 $0x0;
	v3 =	vimm.f32 $0.0e+00;
	[tilespmem:$0x14000] =	vst v4;
	v4 =	vimm.f32 $0.0e+00  }
.LBB2_12:
0xbe: {  	s22 =	sshll.u32 s21, $0x9  }
0xbf: {  	s22 =	sand.u32 $0x3FFFFE00, s22  }
0xc0: {  	s23 =	sadd.s32 $0x2100, s22  }
0xc1: {  	[tilespmem:s13], [sflag:$0x3] =	stream.indirect.gather [hbm4b:s3+s10], $0x80, s23, s10, $0xb8;
	[tilespmem:$0x14180] =	vst v63  }
0xc2: {  	_ =	swait.ge [sflag:s14], $0x4000  }
0xc3: {  	[sflag:s14] =	ssyncset.done $0x0  }
0xc4: {  	s24 =	simm.s32 $0x4200;
	[sflag:s14] =	ssyncadd.s32 $0xFFFFC000  }
0xc5: {  	v5 =	vld [tilespmem:s24+$0xFFFFFE00];
	_ =	sdelay $0x1  }
0xc6: {  	v6 =	vld [tilespmem:s24+$0xFFFFFE80];
	_ =	sdelay $0x1  }
0xc7: {  	v7 =	vld [tilespmem:s24+$0xFFFFFF00]  }
0xc8: {  	v5 =	vadd.f32 v5, v3  }
0xc9: {  	v8 =	vld [tilespmem:s24+$0xFFFFFF80]  }
0xca: {  	v5 =	vadd.f32 v6, v5  }
0xcb: {  	v6 =	vld [tilespmem:s24+$0x0]  }
0xcc: {  	v5 =	vadd.f32 v7, v5;
	_ =	sdelay $0x1  }
0xcd: {  	v7 =	vld [tilespmem:s24+$0x80];
	v5 =	vadd.f32 v8, v5;
	_ =	sdelay $0x1  }
0xce: {  	v8 =	vadd.f32 v6, v5;
	v5 =	vld [tilespmem:s24+$0x100];
	_ =	sdelay $0x1  }
0xcf: {  	v6 =	vld [tilespmem:s24+$0x180]  }
0xd0: {  	s23 =	simm.s32 $0x0;
	s24 =	simm.s32 $0x4600;
	v7 =	vadd.f32 v7, v8  }
.LBB2_13:
0xd1: {  	v8 =	vld [tilespmem:s24+$0xFFFFFE00];
	s23 =	sadd.s32 $0x8, s23  }
0xd2: {  	p0 =	slt.u32 s23, $0x78;
	v5 =	vadd.f32 v5, v7  }
0xd3: {  	v7 =	vld [tilespmem:s24+$0xFFFFFE80]  }
0xd4: {  	v5 =	vadd.f32 v6, v5  }
0xd5: {  	v6 =	vld [tilespmem:s24+$0xFFFFFF00]  }
0xd6: {  	v5 =	vadd.f32 v8, v5  }
0xd7: {  	v8 =	vld [tilespmem:s24+$0xFFFFFF80]  }
0xd8: {  	v5 =	vadd.f32 v7, v5  }
0xd9: {  	v7 =	vld [tilespmem:s24+$0x0]  }
0xda: {  	v5 =	vadd.f32 v6, v5  }
0xdb: {  	v9 =	vld [tilespmem:s24+$0x80]  }
.Ltmp5:
0xdc: {  	v6 =	vadd.f32 v8, v5;
	(pc) =	sbr.rel @p0 .LBB2_13-.Ltmp5, $4  }
0xdd: {  	v5 =	vld [tilespmem:s24+$0x100]  }
0xde: {  	v7 =	vadd.f32 v7, v6  }
0xdf: {  	v6 =	vld [tilespmem:s24+$0x180]  }
0xe0: {  	s24 =	sadd.s32 $0x400, s24;
	v7 =	vadd.f32 v9, v7  }
0xe1: {  	s22 =	sadd.s32 $0x2180, s22  }
0xe2: {  	[tilespmem:s15], [sflag:$0x4] =	stream.indirect.gather [hbm4b:s3+s10], $0x80, s22, s10, $0xb8;
	[tilespmem:$0x14180] =	vst v63  }
0xe3: {  	_ =	swait.ge [sflag:s16], $0x4000  }
0xe4: {  	[sflag:s16] =	ssyncset.done $0x0  }
0xe5: {  	s23 =	simm.s32 $0x8200;
	[sflag:s16] =	ssyncadd.s32 $0xFFFFC000  }
0xe6: {  	v8 =	vld [tilespmem:s23+$0xFFFFFE00]  }
0xe7: {  	v5 =	vadd.f32 v5, v7  }
0xe8: {  	v7 =	vld [tilespmem:s23+$0xFFFFFE80]  }
0xe9: {  	v5 =	vadd.f32 v6, v5  }
0xea: {  	v6 =	vld [tilespmem:s23+$0xFFFFFF00]  }
0xeb: {  	v5 =	vadd.f32 v8, v5  }
0xec: {  	v8 =	vld [tilespmem:s23+$0xFFFFFF80]  }
0xed: {  	v5 =	vadd.f32 v7, v5  }
0xee: {  	v7 =	vld [tilespmem:s23+$0x0]  }
0xef: {  	v5 =	vadd.f32 v6, v5;
	_ =	sdelay $0x1  }
0xf0: {  	v9 =	vld [tilespmem:s23+$0x80];
	v5 =	vadd.f32 v8, v5;
	_ =	sdelay $0x1  }
0xf1: {  	v7 =	vadd.f32 v7, v5;
	v5 =	vld [tilespmem:s23+$0x100];
	_ =	sdelay $0x1  }
0xf2: {  	v6 =	vld [tilespmem:s23+$0x180]  }
0xf3: {  	s22 =	simm.s32 $0x0;
	s23 =	simm.s32 $0x8600;
	v7 =	vadd.f32 v9, v7  }
.LBB2_15:
0xf4: {  	v8 =	vld [tilespmem:s23+$0xFFFFFE00];
	s22 =	sadd.s32 $0x8, s22  }
0xf5: {  	p0 =	slt.u32 s22, $0x78;
	v5 =	vadd.f32 v5, v7  }
0xf6: {  	v7 =	vld [tilespmem:s23+$0xFFFFFE80]  }
0xf7: {  	v5 =	vadd.f32 v6, v5  }
0xf8: {  	v6 =	vld [tilespmem:s23+$0xFFFFFF00]  }
0xf9: {  	v5 =	vadd.f32 v8, v5  }
0xfa: {  	v8 =	vld [tilespmem:s23+$0xFFFFFF80]  }
0xfb: {  	v5 =	vadd.f32 v7, v5  }
0xfc: {  	v7 =	vld [tilespmem:s23+$0x0]  }
0xfd: {  	v5 =	vadd.f32 v6, v5  }
0xfe: {  	v9 =	vld [tilespmem:s23+$0x80]  }
.Ltmp6:
0xff: {  	v6 =	vadd.f32 v8, v5;
	(pc) =	sbr.rel @p0 .LBB2_15-.Ltmp6, $4  }
0x100: {  	v5 =	vld [tilespmem:s23+$0x100]  }
0x101: {  	v7 =	vadd.f32 v7, v6  }
0x102: {  	v6 =	vld [tilespmem:s23+$0x180]  }
0x103: {  	s23 =	sadd.s32 $0x400, s23;
	v7 =	vadd.f32 v9, v7  }
0x104: {  	p0 =	slt.s32 s21, $0xE;
	s22 =	smov.u32 s21  }
0x105: {  	s22 =	simm.s32 @!p0 $0xE  }
0x106: {  	s22 =	sshll.u32 s22, $0x9  }
0x107: {  	s22 =	sand.u32 $0x3FFFFE00, s22  }
0x108: {  	s23 =	sadd.s32 $0x2200, s22  }
0x109: {  	[tilespmem:s11], [sflag:$0x1] =	stream.indirect.gather [hbm4b:s3+s10], $0x80, s23, s10, $0xb8;
	[tilespmem:$0x14180] =	vst v63  }
0x10a: {  	_ =	swait.ge [sflag:s17], $0x4000  }
0x10b: {  	[sflag:s17] =	ssyncset.done $0x0  }
0x10c: {  	s24 =	simm.s32 $0xC200;
	[sflag:s17] =	ssyncadd.s32 $0xFFFFC000  }
0x10d: {  	v8 =	vld [tilespmem:s24+$0xFFFFFE00]  }
0x10e: {  	v5 =	vadd.f32 v5, v7  }
0x10f: {  	v7 =	vld [tilespmem:s24+$0xFFFFFE80]  }
0x110: {  	v5 =	vadd.f32 v6, v5  }
0x111: {  	v6 =	vld [tilespmem:s24+$0xFFFFFF00]  }
0x112: {  	v5 =	vadd.f32 v8, v5  }
0x113: {  	v8 =	vld [tilespmem:s24+$0xFFFFFF80]  }
0x114: {  	v5 =	vadd.f32 v7, v5  }
0x115: {  	v7 =	vld [tilespmem:s24+$0x0]  }
0x116: {  	v5 =	vadd.f32 v6, v5;
	_ =	sdelay $0x1  }
0x117: {  	v9 =	vld [tilespmem:s24+$0x80];
	v5 =	vadd.f32 v8, v5;
	_ =	sdelay $0x1  }
0x118: {  	v7 =	vadd.f32 v7, v5;
	v5 =	vld [tilespmem:s24+$0x100];
	_ =	sdelay $0x1  }
0x119: {  	v6 =	vld [tilespmem:s24+$0x180]  }
0x11a: {  	s23 =	simm.s32 $0x0;
	s24 =	simm.s32 $0xC600;
	v7 =	vadd.f32 v9, v7  }
.LBB2_17:
0x11b: {  	v8 =	vld [tilespmem:s24+$0xFFFFFE00];
	s23 =	sadd.s32 $0x8, s23  }
0x11c: {  	p0 =	slt.u32 s23, $0x78;
	v5 =	vadd.f32 v5, v7  }
0x11d: {  	v7 =	vld [tilespmem:s24+$0xFFFFFE80]  }
0x11e: {  	v5 =	vadd.f32 v6, v5  }
0x11f: {  	v6 =	vld [tilespmem:s24+$0xFFFFFF00]  }
0x120: {  	v5 =	vadd.f32 v8, v5  }
0x121: {  	v8 =	vld [tilespmem:s24+$0xFFFFFF80]  }
0x122: {  	v5 =	vadd.f32 v7, v5  }
0x123: {  	v7 =	vld [tilespmem:s24+$0x0]  }
0x124: {  	v5 =	vadd.f32 v6, v5  }
0x125: {  	v9 =	vld [tilespmem:s24+$0x80]  }
.Ltmp7:
0x126: {  	v6 =	vadd.f32 v8, v5;
	(pc) =	sbr.rel @p0 .LBB2_17-.Ltmp7, $4  }
0x127: {  	v5 =	vld [tilespmem:s24+$0x100]  }
0x128: {  	v7 =	vadd.f32 v7, v6  }
0x129: {  	v6 =	vld [tilespmem:s24+$0x180]  }
0x12a: {  	s24 =	sadd.s32 $0x400, s24;
	v7 =	vadd.f32 v9, v7  }
0x12b: {  	s22 =	sadd.s32 $0x2280, s22  }
0x12c: {  	[tilespmem:s12], [sflag:$0x2] =	stream.indirect.gather [hbm4b:s3+s10], $0x80, s22, s10, $0xb8;
	[tilespmem:$0x14180] =	vst v63  }
0x12d: {  	_ =	swait.ge [sflag:s18], $0x4000  }
0x12e: {  	[sflag:s18] =	ssyncset.done $0x0  }
0x12f: {  	s23 =	simm.s32 $0x10200;
	[sflag:s18] =	ssyncadd.s32 $0xFFFFC000  }
0x130: {  	v8 =	vld [tilespmem:s23+$0xFFFFFE00]  }
0x131: {  	v5 =	vadd.f32 v5, v7  }
0x132: {  	v7 =	vld [tilespmem:s23+$0xFFFFFE80]  }
0x133: {  	v5 =	vadd.f32 v6, v5  }
0x134: {  	v6 =	vld [tilespmem:s23+$0xFFFFFF00]  }
0x135: {  	v5 =	vadd.f32 v8, v5  }
0x136: {  	v8 =	vld [tilespmem:s23+$0xFFFFFF80]  }
0x137: {  	v5 =	vadd.f32 v7, v5  }
0x138: {  	v7 =	vld [tilespmem:s23+$0x0]  }
0x139: {  	v5 =	vadd.f32 v6, v5;
	_ =	sdelay $0x1  }
0x13a: {  	v9 =	vld [tilespmem:s23+$0x80];
	v5 =	vadd.f32 v8, v5;
	_ =	sdelay $0x1  }
0x13b: {  	v7 =	vadd.f32 v7, v5;
	v5 =	vld [tilespmem:s23+$0x100];
	_ =	sdelay $0x1  }
0x13c: {  	v6 =	vld [tilespmem:s23+$0x180]  }
0x13d: {  	s22 =	simm.s32 $0x0;
	s23 =	simm.s32 $0x10600;
	v7 =	vadd.f32 v9, v7  }
.LBB2_19:
0x13e: {  	v8 =	vld [tilespmem:s23+$0xFFFFFE00];
	s22 =	sadd.s32 $0x8, s22  }
0x13f: {  	p0 =	slt.u32 s22, $0x78;
	v5 =	vadd.f32 v5, v7  }
0x140: {  	v7 =	vld [tilespmem:s23+$0xFFFFFE80]  }
0x141: {  	v5 =	vadd.f32 v6, v5  }
0x142: {  	v6 =	vld [tilespmem:s23+$0xFFFFFF00]  }
0x143: {  	v5 =	vadd.f32 v8, v5  }
0x144: {  	v8 =	vld [tilespmem:s23+$0xFFFFFF80]  }
0x145: {  	v5 =	vadd.f32 v7, v5  }
0x146: {  	v7 =	vld [tilespmem:s23+$0x0]  }
0x147: {  	v5 =	vadd.f32 v6, v5  }
0x148: {  	v9 =	vld [tilespmem:s23+$0x80]  }
.Ltmp8:
0x149: {  	v6 =	vadd.f32 v8, v5;
	(pc) =	sbr.rel @p0 .LBB2_19-.Ltmp8, $4  }
0x14a: {  	v5 =	vld [tilespmem:s23+$0x100]  }
0x14b: {  	v7 =	vadd.f32 v7, v6  }
0x14c: {  	v6 =	vld [tilespmem:s23+$0x180]  }
0x14d: {  	s23 =	sadd.s32 $0x400, s23;
	v7 =	vadd.f32 v9, v7  }
0x14e: {  	_ = 	snop  }
0x14f: {  	v5 =	vadd.f32 v5, v7;
	_ =	sdelay $0x1  }
0x150: {  	v5 =	vadd.f32 v6, v5;
	_ =	sdelay $0x1  }
0x151: {  	v5 =	vmul.f32 $1.953125000e-03, v5;
	_ =	sdelay $0x1  }
0x152: {  	v5 =	vmax.f32 v5, $0.0e+00  }
0x153: {  	v5 =	vmul.f32 v5, v1;
	_ =	sdelay $0x1  }
0x154: {  	(xrf2) =	vadd.scan.msk.f32 $0xffff, v5;
	_ =	sdelay $0x6  }
0x155: {  	v6 =	vmov s21;
	s21 =	sadd.s32 $0x1, s21  }
0x156: {  	p0 =	sne.s32 s21, $0x10  }
.Ltmp9:
0x157: {  	_ = 	snop;
	(pc) =	sbr.rel @p0 .LBB2_12-.Ltmp9, $4  }
0x158: {  	v5, _, _ =	vpop (xrf2)  }
0x159: {  	v5 =	vbroadcast v5, $0xF  }
0x15a: {  	vm0 =	veq.s32 v6, v0  }
0x15b: {  	v4 =	vsel vm0, v5, v4  }
0x15c: {  	v1 =	vadd.f32 v4, v2;
	_ =	sdelay $0x1  }
0x15d: {  	v1 =	vsub.f32 $0.0e+00, v1;
	_ =	sdelay $0x1  }
0x15e: {  	v1 =	vmul.f32 $1.442695020e+00, v1;
	_ =	sdelay $0x1  }
0x15f: {  	(erf) = vpow2.f32 v1;
	_ =	sdelay $0x8  }
0x160: {  	v1 =	vpop (erf)  }
0x161: {  	v1 =	vadd.f32 $1.000000000e+00, v1;
	_ =	sdelay $0x1  }
0x162: {  	(erf) = vrcp.f32 v1;
	_ =	sdelay $0x8  }
0x163: {  	v1 =	vpop (erf)  }
0x164: {  	[tilespmem:$0x14010] =	vst v1  }
0x165: {  	_ =	swait.ge [sflag:s14], $0x4000  }
0x166: {  	[sflag:s14] =	ssyncset.done $0x0  }
0x167: {  	[sflag:s14] =	ssyncadd.s32 $0xFFFFC000  }
0x168: {  	s20 =	sadd.s32 $0x1, s20;
	_ =	swait.ge [sflag:s16], $0x4000  }
0x169: {  	p0 =	sne.s32 s20, s7;
	[sflag:s16] =	ssyncset.done $0x0  }
.Ltmp10:
0x16a: {  	[sflag:s16] =	ssyncadd.s32 $0xFFFFC000;
	(pc) =	sbr.rel @p0 .LBB2_1-.Ltmp10, $4  }
0x16b: {  	[hbm4b:s6+s2] =	stream.linear.scatter [tilespmem:s19], [sflag:$0x5], $0x20, $0x38;
	[tilespmem:$0x14180] =	vst v63  }
0x16c: {  	_ =	swait.ge [sflag:s8], $0x20  }
0x16d: {  	[sflag:s8] =	ssyncset.done $0x0  }
0x16e: {  	[sflag:s8] =	ssyncadd.s32 $0xFFFFFFE0  }
0x16f: {  	_ =	sfence.sel $0x180000  }
0x170: {  	[bflag:$0x0] =	sbarrier.arrive $0xFFFF  }
0x171: {  	p0 =	sne.s32 s0, $0x0;
	_ =	strace $0x90000047  }
0x172: {  	s0 =	sadd.s32 @!p0 $0x100000, s1;
	[bflag:$0x2] =	sbarrier.arrive $0xFFFF  }
0x173: {  	[sflag:s0] =	ssyncadd.tile.s32 @!p0 $0x1;
	_ =	shalt  }
.Lfunc_end2:
_tile_overlayer_lowered:
.L_overlay_start_2:
0x174: {  	(tag) =	ssettag $0x2  }
0x175: {  	s0 =	rddreg [dreg:$0x0];
	s2 =	stileid.u32  }
0x176: {  	s1 =	rddreg [dreg:$0x1];
	p0 =	sne.s32 s2, $0x0  }
0x177: {  	s3 =	rddreg [dreg:$0x2];
	[bflag:$0x3] =	sbarrier.arrive $0xFFFF;
	s2 =	simm.s32 @!p0 $0x1C05  }
0x178: {  	[timem:s3], [sflag:s2] =	dma.local @!p0 [hbm:s0], s1  }
0x179: {  	s0 =	simm.s32 @!p0 $0x5  }
0x17a: {  	_ =	swait.ge @!p0 [sflag:s0], s1  }
0x17b: {  	s1 =	ssub.s32 @!p0 $0x0, s1;
	[sflag:s0] =	ssyncset.done @!p0 $0x0  }
0x17c: {  	[sflag:s0] =	ssyncadd.s32 @!p0 s1  }
0x17d: {  	[bflag:$0x3] =	sbarrier.arrive $0xFFFF  }
0x17e: {  	_ =	shalt  }

</sc_bundles>
